<compile_context>
chip_gen: v7x
topology: tpu7x:2x2x1
jax: 0.10.2.dev20260603
libtpu: 0.0.44.dev20260713+nightly
codegen_flags: <defaults>
</compile_context>

<pallas_src>
import functools

import jax
import jax.numpy as jnp
from jax import lax
from jax.experimental import pallas as pl
from jax.experimental.pallas import tpu as pltpu
from jax.experimental.pallas import tpu_sc as plsc

N_NODES = 10000
N_EDGES = 320000
D = 128
D_EDGE = 16

NC = 2
NS = 16
N_TILES = NC * NS

E_PER_CORE = N_EDGES // NC
E_PER_TILE = E_PER_CORE // NS
CHUNK = 80
N_CHUNKS = E_PER_TILE // CHUNK
ZROWS = 200
N_ZCH = N_NODES // ZROWS



def _emb_body(attr_ref, we_ref, be_ref, out_ref):
    out_ref[...] = (
        jnp.dot(attr_ref[...], we_ref[...], preferred_element_type=jnp.float32)
        + be_ref[...]
    )


def _edge_embedding(edge_attr, We, be2d):
    blk = 2000
    return pl.pallas_call(
        _emb_body,
        grid=(N_EDGES // blk,),
        in_specs=[
            pl.BlockSpec((blk, D_EDGE), lambda i: (i, 0)),
            pl.BlockSpec((D_EDGE, D), lambda i: (0, 0)),
            pl.BlockSpec((1, D), lambda i: (0, 0)),
        ],
        out_specs=pl.BlockSpec((blk, D), lambda i: (i, 0)),
        out_shape=jax.ShapeDtypeStruct((N_EDGES, D), jnp.float32),
    )(edge_attr, We, be2d)



def _sc_body(x_hbm, row_hbm, col_hbm, emb_hbm, out_hbm,
             row_v, col_v, msg_v, xg_v, zero_v, agg_sh, gsem):
    c = lax.axis_index("c")
    s = lax.axis_index("s")

    def _zero_row(r, _):
        for j in range(D // 16):
            zero_v[r, pl.ds(j * 16, 16)] = jnp.zeros((16,), jnp.float32)
        return 0

    lax.fori_loop(0, ZROWS, _zero_row, 0)
    for t in range(-(-N_ZCH // NS)):
        idx = s + t * NS

        @pl.when(idx < N_ZCH)
        def _():
            pltpu.sync_copy(zero_v, agg_sh.at[pl.ds(idx * ZROWS, ZROWS)])

    plsc.subcore_barrier()

    base_e = c * E_PER_CORE + s * E_PER_TILE

    def _chunk(g, _):
        e0 = base_e + g * CHUNK
        pltpu.sync_copy(row_hbm.at[pl.ds(e0, CHUNK)], row_v)
        pltpu.sync_copy(col_hbm.at[pl.ds(e0, CHUNK)], col_v)
        pltpu.sync_copy(emb_hbm.at[pl.ds(e0, CHUNK)], msg_v)
        pltpu.async_copy(x_hbm.at[row_v], xg_v, gsem).wait()

        def _relu_row(r, _):
            for j in range(D // 16):
                a = msg_v[r, pl.ds(j * 16, 16)]
                b = xg_v[r, pl.ds(j * 16, 16)]
                msg_v[r, pl.ds(j * 16, 16)] = jnp.maximum(a + b, 0.0)
            return 0

        lax.fori_loop(0, CHUNK, _relu_row, 0)
        pltpu.sync_copy(msg_v, agg_sh.at[col_v], add=True)
        return 0

    lax.fori_loop(0, N_CHUNKS, _chunk, 0)
    plsc.subcore_barrier()

    for t in range(-(-N_ZCH // NS)):
        idx = s + t * NS

        @pl.when(idx < N_ZCH)
        def _():
            r0 = idx * ZROWS
            pltpu.sync_copy(agg_sh.at[pl.ds(r0, ZROWS)], out_hbm.at[c, pl.ds(r0, ZROWS)])


def _sc_aggregate(x, row, col, emb):
    mesh = plsc.VectorSubcoreMesh(
        core_axis_name="c", subcore_axis_name="s", num_cores=NC, num_subcores=NS
    )
    fn = functools.partial(
        pl.kernel,
        out_type=jax.ShapeDtypeStruct((NC, N_NODES, D), jnp.float32),
        mesh=mesh,
        scratch_types=[
            pltpu.VMEM((CHUNK,), jnp.int32),
            pltpu.VMEM((CHUNK,), jnp.int32),
            pltpu.VMEM((CHUNK, D), jnp.float32),
            pltpu.VMEM((CHUNK, D), jnp.float32),
            pltpu.VMEM((ZROWS, D), jnp.float32),
            pltpu.VMEM_SHARED((N_NODES, D), jnp.float32),
            pltpu.SemaphoreType.DMA,
        ],
    )(_sc_body)
    return fn(x, row, col, emb)



def _mlp_body(x_ref, a0_ref, a1_ref, w1_ref, b1_ref, w2_ref, b2_ref, out_ref):
    h = x_ref[...] + a0_ref[0] + a1_ref[0]
    h = jnp.maximum(
        jnp.dot(h, w1_ref[...], preferred_element_type=jnp.float32) + b1_ref[...],
        0.0,
    )
    out_ref[...] = (
        jnp.dot(h, w2_ref[...], preferred_element_type=jnp.float32) + b2_ref[...]
    )


def _mlp(x, agg, W1, b1_2d, W2, b2_2d):
    blk = 1000
    return pl.pallas_call(
        _mlp_body,
        grid=(N_NODES // blk,),
        in_specs=[
            pl.BlockSpec((blk, D), lambda i: (i, 0)),
            pl.BlockSpec((1, blk, D), lambda i: (0, i, 0)),
            pl.BlockSpec((1, blk, D), lambda i: (1, i, 0)),
            pl.BlockSpec((D, D), lambda i: (0, 0)),
            pl.BlockSpec((1, D), lambda i: (0, 0)),
            pl.BlockSpec((D, D), lambda i: (0, 0)),
            pl.BlockSpec((1, D), lambda i: (0, 0)),
        ],
        out_specs=pl.BlockSpec((blk, D), lambda i: (i, 0)),
        out_shape=jax.ShapeDtypeStruct((N_NODES, D), jnp.float32),
    )(x, agg, agg, W1, b1_2d, W2, b2_2d)



def kernel(x, edge_index, edge_attr, We, be, W1, b1, W2, b2):
    row = edge_index[0].astype(jnp.int32)
    col = edge_index[1].astype(jnp.int32)
    emb = _edge_embedding(edge_attr, We, be.reshape(1, D))
    agg = _sc_aggregate(x, row, col, emb)
    return _mlp(x, agg, W1, b1.reshape(1, D), W2, b2.reshape(1, D))

# --- scband reference (transcript-rebuilt; emitter-appended) ---
"""Pipeline reference for scband-gineconv-64707977282153 (READ-ONLY COPY).

The authoritative reference and input builder live on the scoring server;
editing this copy changes nothing except your own understanding.
"""

import jax, jax.numpy as jnp
import numpy as np

N_NODES = 10000
N_EDGES = 320000
D_FEAT = 128
D_EDGE = 16
EPS = 0.0


def setup_inputs(seed: int = 0) -> dict:
    key = jax.random.key(seed)
    k = jax.random.split(key, 9)
    x = jax.random.normal(k[0], (N_NODES, D_FEAT), dtype=jnp.float32)
    edge_index = jax.random.randint(k[1], (2, N_EDGES), 0, N_NODES, dtype=jnp.int64)
    edge_attr = jax.random.normal(k[2], (N_EDGES, D_EDGE), dtype=jnp.float32)
    # edge_linear: Linear(D_EDGE, D_FEAT)
    We = jax.random.normal(k[3], (D_EDGE, D_FEAT), dtype=jnp.float32) * (1.0 / np.sqrt(D_EDGE))
    be = jnp.zeros((D_FEAT,), dtype=jnp.float32)
    # mlp: Linear(D_FEAT, D_FEAT) -> ReLU -> Linear(D_FEAT, D_FEAT)
    W1 = jax.random.normal(k[4], (D_FEAT, D_FEAT), dtype=jnp.float32) * (1.0 / np.sqrt(D_FEAT))
    b1 = jnp.zeros((D_FEAT,), dtype=jnp.float32)
    W2 = jax.random.normal(k[5], (D_FEAT, D_FEAT), dtype=jnp.float32) * (1.0 / np.sqrt(D_FEAT))
    b2 = jnp.zeros((D_FEAT,), dtype=jnp.float32)
    return {"x": x, "edge_index": edge_index, "edge_attr": edge_attr,
            "We": We, "be": be, "W1": W1, "b1": b1, "W2": W2, "b2": b2}


def reference(x, edge_index, edge_attr, We, be, W1, b1, W2, b2):
    row = edge_index[0]
    col = edge_index[1]
    edge_embedding = edge_attr @ We + be
    messages = jax.nn.relu(x[row] + edge_embedding)
    aggregated = jnp.zeros_like(x).at[col].add(messages)
    h = (1.0 + EPS) * x + aggregated
    h = jax.nn.relu(h @ W1 + b1)
    out = h @ W2 + b2
    return out

if __name__ == "__main__":
    import jax
    _d = setup_inputs()
    print(jax.jit(kernel)(*tuple(_d.values())))

</pallas_src>

<mosaic_0001>
#map = affine_map<(d0, d1) -> (0, 0)>
#map1 = affine_map<(d0, d1) -> (0)>
#map2 = affine_map<(d0, d1) -> (0, 0, 0)>
module attributes {stable_mosaic.version = 14 : i64} {
  func.func @_sc_body(%arg0: i32, %arg1: i32, %arg2: memref<10000x128xf32, #tpu.memory_space<hbm>>, %arg3: memref<320000xi32, #tpu.memory_space<hbm>>, %arg4: memref<320000xi32, #tpu.memory_space<hbm>>, %arg5: memref<320000x128xf32, #tpu.memory_space<hbm>>, %arg6: memref<2x10000x128xf32, #tpu.memory_space<hbm>>, %arg7: memref<80xi32, #tpu.memory_space<vmem>>, %arg8: memref<80xi32, #tpu.memory_space<vmem>>, %arg9: memref<80x128xf32, #tpu.memory_space<vmem>>, %arg10: memref<80x128xf32, #tpu.memory_space<vmem>>, %arg11: memref<200x128xf32, #tpu.memory_space<vmem>>, %arg12: memref<10000x128xf32, #tpu.memory_space<vmem_shared>>, %arg13: memref<!tpu.dma_semaphore, #tpu.memory_space<semaphore_mem>>) attributes {dimension_semantics = [#tpu.dimension_semantics<core_parallel>, #tpu.dimension_semantics<subcore_parallel>], iteration_bounds = array<i64: 2, 16>, scalar_prefetch = 0 : i64, scratch_operands = 7 : i64, tpu.core_type = #tpu.core_type<sc_vector_subcore>, window_params = [{transform_indices = #map}, {transform_indices = #map1}, {transform_indices = #map1}, {transform_indices = #map}, {transform_indices = #map2}]} {
    %scan3A = arith.constant 0 : i32
    %scan3A_0 = arith.constant 0 : i32
    %scan3A_1 = arith.constant 200 : i32
    %scan3A_2 = arith.addi %scan3A_0, %scan3A_1 : i32
    %scan3A_3 = arith.constant 1 : i32
    %scan3A_4 = scf.for %scan3A_70 = %scan3A_0 to %scan3A_2 step %scan3A_3 iter_args(%scan3A_71 = %scan3A) -> (i32)  : i32 {
      %broadcast_in_dim3A = arith.constant 0.000000e+00 : f32
      %broadcast_in_dim3A_72 = vector.broadcast %broadcast_in_dim3A : f32 to vector<16xf32>
      %swap3A = arith.index_cast %scan3A_70 : i32 to index
      %swap3A_73 = arith.constant 0 : index
      %swap3A_74 = tpu.vector_load %arg11[%swap3A, %swap3A_73] {strides = array<i32>} : memref<200x128xf32, #tpu.memory_space<vmem>>, vector<1x16xf32>,
      %swap3A_75 = vector.shape_cast %swap3A_74 : vector<1x16xf32> to vector<16xf32>
      %swap3A_76 = vector.shape_cast %broadcast_in_dim3A_72 : vector<16xf32> to vector<1x16xf32>
      tpu.vector_store %arg11[%swap3A, %swap3A_73], %swap3A_76 {strides = array<i32>} : memref<200x128xf32, #tpu.memory_space<vmem>>, vector<1x16xf32>,
      %broadcast_in_dim3A_77 = arith.constant 0.000000e+00 : f32
      %broadcast_in_dim3A_78 = vector.broadcast %broadcast_in_dim3A_77 : f32 to vector<16xf32>
      %swap3A_79 = arith.index_cast %scan3A_70 : i32 to index
      %swap3A_80 = arith.constant 16 : index
      %swap3A_81 = tpu.vector_load %arg11[%swap3A_79, %swap3A_80] {strides = array<i32>} : memref<200x128xf32, #tpu.memory_space<vmem>>, vector<1x16xf32>,
      %swap3A_82 = vector.shape_cast %swap3A_81 : vector<1x16xf32> to vector<16xf32>
      %swap3A_83 = vector.shape_cast %broadcast_in_dim3A_78 : vector<16xf32> to vector<1x16xf32>
      tpu.vector_store %arg11[%swap3A_79, %swap3A_80], %swap3A_83 {strides = array<i32>} : memref<200x128xf32, #tpu.memory_space<vmem>>, vector<1x16xf32>,
      %broadcast_in_dim3A_84 = arith.constant 0.000000e+00 : f32
      %broadcast_in_dim3A_85 = vector.broadcast %broadcast_in_dim3A_84 : f32 to vector<16xf32>
      %swap3A_86 = arith.index_cast %scan3A_70 : i32 to index
      %swap3A_87 = arith.constant 32 : index
      %swap3A_88 = tpu.vector_load %arg11[%swap3A_86, %swap3A_87] {strides = array<i32>} : memref<200x128xf32, #tpu.memory_space<vmem>>, vector<1x16xf32>,
      %swap3A_89 = vector.shape_cast %swap3A_88 : vector<1x16xf32> to vector<16xf32>
      %swap3A_90 = vector.shape_cast %broadcast_in_dim3A_85 : vector<16xf32> to vector<1x16xf32>
      tpu.vector_store %arg11[%swap3A_86, %swap3A_87], %swap3A_90 {strides = array<i32>} : memref<200x128xf32, #tpu.memory_space<vmem>>, vector<1x16xf32>,
      %broadcast_in_dim3A_91 = arith.constant 0.000000e+00 : f32
      %broadcast_in_dim3A_92 = vector.broadcast %broadcast_in_dim3A_91 : f32 to vector<16xf32>
      %swap3A_93 = arith.index_cast %scan3A_70 : i32 to index
      %swap3A_94 = arith.constant 48 : index
      %swap3A_95 = tpu.vector_load %arg11[%swap3A_93, %swap3A_94] {strides = array<i32>} : memref<200x128xf32, #tpu.memory_space<vmem>>, vector<1x16xf32>,
      %swap3A_96 = vector.shape_cast %swap3A_95 : vector<1x16xf32> to vector<16xf32>
      %swap3A_97 = vector.shape_cast %broadcast_in_dim3A_92 : vector<16xf32> to vector<1x16xf32>
      tpu.vector_store %arg11[%swap3A_93, %swap3A_94], %swap3A_97 {strides = array<i32>} : memref<200x128xf32, #tpu.memory_space<vmem>>, vector<1x16xf32>,
      %broadcast_in_dim3A_98 = arith.constant 0.000000e+00 : f32
      %broadcast_in_dim3A_99 = vector.broadcast %broadcast_in_dim3A_98 : f32 to vector<16xf32>
      %swap3A_100 = arith.index_cast %scan3A_70 : i32 to index
      %swap3A_101 = arith.constant 64 : index
      %swap3A_102 = tpu.vector_load %arg11[%swap3A_100, %swap3A_101] {strides = array<i32>} : memref<200x128xf32, #tpu.memory_space<vmem>>, vector<1x16xf32>,
      %swap3A_103 = vector.shape_cast %swap3A_102 : vector<1x16xf32> to vector<16xf32>
      %swap3A_104 = vector.shape_cast %broadcast_in_dim3A_99 : vector<16xf32> to vector<1x16xf32>
      tpu.vector_store %arg11[%swap3A_100, %swap3A_101], %swap3A_104 {strides = array<i32>} : memref<200x128xf32, #tpu.memory_space<vmem>>, vector<1x16xf32>,
      %broadcast_in_dim3A_105 = arith.constant 0.000000e+00 : f32
      %broadcast_in_dim3A_106 = vector.broadcast %broadcast_in_dim3A_105 : f32 to vector<16xf32>
      %swap3A_107 = arith.index_cast %scan3A_70 : i32 to index
      %swap3A_108 = arith.constant 80 : index
      %swap3A_109 = tpu.vector_load %arg11[%swap3A_107, %swap3A_108] {strides = array<i32>} : memref<200x128xf32, #tpu.memory_space<vmem>>, vector<1x16xf32>,
      %swap3A_110 = vector.shape_cast %swap3A_109 : vector<1x16xf32> to vector<16xf32>
      %swap3A_111 = vector.shape_cast %broadcast_in_dim3A_106 : vector<16xf32> to vector<1x16xf32>
      tpu.vector_store %arg11[%swap3A_107, %swap3A_108], %swap3A_111 {strides = array<i32>} : memref<200x128xf32, #tpu.memory_space<vmem>>, vector<1x16xf32>,
      %broadcast_in_dim3A_112 = arith.constant 0.000000e+00 : f32
      %broadcast_in_dim3A_113 = vector.broadcast %broadcast_in_dim3A_112 : f32 to vector<16xf32>
      %swap3A_114 = arith.index_cast %scan3A_70 : i32 to index
      %swap3A_115 = arith.constant 96 : index
      %swap3A_116 = tpu.vector_load %arg11[%swap3A_114, %swap3A_115] {strides = array<i32>} : memref<200x128xf32, #tpu.memory_space<vmem>>, vector<1x16xf32>,
      %swap3A_117 = vector.shape_cast %swap3A_116 : vector<1x16xf32> to vector<16xf32>
      %swap3A_118 = vector.shape_cast %broadcast_in_dim3A_113 : vector<16xf32> to vector<1x16xf32>
      tpu.vector_store %arg11[%swap3A_114, %swap3A_115], %swap3A_118 {strides = array<i32>} : memref<200x128xf32, #tpu.memory_space<vmem>>, vector<1x16xf32>,
      %broadcast_in_dim3A_119 = arith.constant 0.000000e+00 : f32
      %broadcast_in_dim3A_120 = vector.broadcast %broadcast_in_dim3A_119 : f32 to vector<16xf32>
      %swap3A_121 = arith.index_cast %scan3A_70 : i32 to index
      %swap3A_122 = arith.constant 112 : index
      %swap3A_123 = tpu.vector_load %arg11[%swap3A_121, %swap3A_122] {strides = array<i32>} : memref<200x128xf32, #tpu.memory_space<vmem>>, vector<1x16xf32>,
      %swap3A_124 = vector.shape_cast %swap3A_123 : vector<1x16xf32> to vector<16xf32>
      %swap3A_125 = vector.shape_cast %broadcast_in_dim3A_120 : vector<16xf32> to vector<1x16xf32>
      tpu.vector_store %arg11[%swap3A_121, %swap3A_122], %swap3A_125 {strides = array<i32>} : memref<200x128xf32, #tpu.memory_space<vmem>>, vector<1x16xf32>,
      %scan3A_126 = arith.constant 0 : i32
      scf.yield %scan3A_126 : i32
    }
    %scan3A_5 = arith.constant 200 : i32
    %add3A = arith.constant 0 : i32
    %add3A_6 = arith.addi %arg1, %add3A : i32
    %lt3A = arith.constant 50 : i32
    %lt3A_7 = arith.cmpi slt, %add3A_6, %lt3A : i32
    %convert_element_type3A = arith.extui %lt3A_7 : i1 to i32
    %cond3A = arith.constant 0 : i32
    %cond3A_8 = arith.cmpi ne, %convert_element_type3A, %cond3A : i32
    scf.if %cond3A_8 {
      %mul3A_70 = arith.constant 200 : i32
      %mul3A_71 = arith.muli %add3A_6, %mul3A_70 : i32
      "tpu.region"() ({
        %run_scoped3A = tpu.sem_alloc : memref<!tpu.dma_semaphore, #tpu.memory_space<semaphore_mem>>
        %dma_start3A = arith.constant 0 : i32
        %dma_start3A_72 = tpu.memref_slice %arg12[%mul3A_71, %dma_start3A] : memref<10000x128xf32, #tpu.memory_space<vmem_shared>> -> memref<200x128xf32, #tpu.memory_space<vmem_shared>>
        %dma_start3A_73 = arith.constant 0 : i32
        %dma_start3A_74 = tpu.memref_slice %arg12[%mul3A_71, %dma_start3A_73] : memref<10000x128xf32, #tpu.memory_space<vmem_shared>> -> memref<200x128xf32, #tpu.memory_space<vmem_shared>>
        tpu.enqueue_dma source(%arg11 : memref<200x128xf32, #tpu.memory_space<vmem>>) target(%dma_start3A_74 : memref<200x128xf32, #tpu.memory_space<vmem_shared>>) target_semaphore(%run_scoped3A : memref<!tpu.dma_semaphore, #tpu.memory_space<semaphore_mem>>)
        %dma_wait3A = arith.constant 0 : i32
        %dma_wait3A_75 = tpu.memref_slice %arg12[%mul3A_71, %dma_wait3A] : memref<10000x128xf32, #tpu.memory_space<vmem_shared>> -> memref<200x128xf32, #tpu.memory_space<vmem_shared>>
        %dma_wait3A_76 = arith.constant 0 : i32
        %dma_wait3A_77 = tpu.memref_slice %arg12[%mul3A_71, %dma_wait3A_76] : memref<10000x128xf32, #tpu.memory_space<vmem_shared>> -> memref<200x128xf32, #tpu.memory_space<vmem_shared>>
        tpu.wait_dma2 semaphore(%run_scoped3A : memref<!tpu.dma_semaphore, #tpu.memory_space<semaphore_mem>>) src(%arg11 : memref<200x128xf32, #tpu.memory_space<vmem>>) dst(%dma_wait3A_77 : memref<200x128xf32, #tpu.memory_space<vmem_shared>>)
        tpu.yield
      }) : () -> ()
    } else {
    }
    %add3A_9 = arith.constant 16 : i32
    %add3A_10 = arith.addi %arg1, %add3A_9 : i32
    %lt3A_11 = arith.constant 50 : i32
    %lt3A_12 = arith.cmpi slt, %add3A_10, %lt3A_11 : i32
    %convert_element_type3A_13 = arith.extui %lt3A_12 : i1 to i32
    %cond3A_14 = arith.constant 0 : i32
    %cond3A_15 = arith.cmpi ne, %convert_element_type3A_13, %cond3A_14 : i32
    scf.if %cond3A_15 {
      %mul3A_70 = arith.constant 200 : i32
      %mul3A_71 = arith.muli %add3A_10, %mul3A_70 : i32
      "tpu.region"() ({
        %run_scoped3A = tpu.sem_alloc : memref<!tpu.dma_semaphore, #tpu.memory_space<semaphore_mem>>
        %dma_start3A = arith.constant 0 : i32
        %dma_start3A_72 = tpu.memref_slice %arg12[%mul3A_71, %dma_start3A] : memref<10000x128xf32, #tpu.memory_space<vmem_shared>> -> memref<200x128xf32, #tpu.memory_space<vmem_shared>>
        %dma_start3A_73 = arith.constant 0 : i32
        %dma_start3A_74 = tpu.memref_slice %arg12[%mul3A_71, %dma_start3A_73] : memref<10000x128xf32, #tpu.memory_space<vmem_shared>> -> memref<200x128xf32, #tpu.memory_space<vmem_shared>>
        tpu.enqueue_dma source(%arg11 : memref<200x128xf32, #tpu.memory_space<vmem>>) target(%dma_start3A_74 : memref<200x128xf32, #tpu.memory_space<vmem_shared>>) target_semaphore(%run_scoped3A : memref<!tpu.dma_semaphore, #tpu.memory_space<semaphore_mem>>)
        %dma_wait3A = arith.constant 0 : i32
        %dma_wait3A_75 = tpu.memref_slice %arg12[%mul3A_71, %dma_wait3A] : memref<10000x128xf32, #tpu.memory_space<vmem_shared>> -> memref<200x128xf32, #tpu.memory_space<vmem_shared>>
        %dma_wait3A_76 = arith.constant 0 : i32
        %dma_wait3A_77 = tpu.memref_slice %arg12[%mul3A_71, %dma_wait3A_76] : memref<10000x128xf32, #tpu.memory_space<vmem_shared>> -> memref<200x128xf32, #tpu.memory_space<vmem_shared>>
        tpu.wait_dma2 semaphore(%run_scoped3A : memref<!tpu.dma_semaphore, #tpu.memory_space<semaphore_mem>>) src(%arg11 : memref<200x128xf32, #tpu.memory_space<vmem>>) dst(%dma_wait3A_77 : memref<200x128xf32, #tpu.memory_space<vmem_shared>>)
        tpu.yield
      }) : () -> ()
    } else {
    }
    %add3A_16 = arith.constant 32 : i32
    %add3A_17 = arith.addi %arg1, %add3A_16 : i32
    %lt3A_18 = arith.constant 50 : i32
    %lt3A_19 = arith.cmpi slt, %add3A_17, %lt3A_18 : i32
    %convert_element_type3A_20 = arith.extui %lt3A_19 : i1 to i32
    %cond3A_21 = arith.constant 0 : i32
    %cond3A_22 = arith.cmpi ne, %convert_element_type3A_20, %cond3A_21 : i32
    scf.if %cond3A_22 {
      %mul3A_70 = arith.constant 200 : i32
      %mul3A_71 = arith.muli %add3A_17, %mul3A_70 : i32
      "tpu.region"() ({
        %run_scoped3A = tpu.sem_alloc : memref<!tpu.dma_semaphore, #tpu.memory_space<semaphore_mem>>
        %dma_start3A = arith.constant 0 : i32
        %dma_start3A_72 = tpu.memref_slice %arg12[%mul3A_71, %dma_start3A] : memref<10000x128xf32, #tpu.memory_space<vmem_shared>> -> memref<200x128xf32, #tpu.memory_space<vmem_shared>>
        %dma_start3A_73 = arith.constant 0 : i32
        %dma_start3A_74 = tpu.memref_slice %arg12[%mul3A_71, %dma_start3A_73] : memref<10000x128xf32, #tpu.memory_space<vmem_shared>> -> memref<200x128xf32, #tpu.memory_space<vmem_shared>>
        tpu.enqueue_dma source(%arg11 : memref<200x128xf32, #tpu.memory_space<vmem>>) target(%dma_start3A_74 : memref<200x128xf32, #tpu.memory_space<vmem_shared>>) target_semaphore(%run_scoped3A : memref<!tpu.dma_semaphore, #tpu.memory_space<semaphore_mem>>)
        %dma_wait3A = arith.constant 0 : i32
        %dma_wait3A_75 = tpu.memref_slice %arg12[%mul3A_71, %dma_wait3A] : memref<10000x128xf32, #tpu.memory_space<vmem_shared>> -> memref<200x128xf32, #tpu.memory_space<vmem_shared>>
        %dma_wait3A_76 = arith.constant 0 : i32
        %dma_wait3A_77 = tpu.memref_slice %arg12[%mul3A_71, %dma_wait3A_76] : memref<10000x128xf32, #tpu.memory_space<vmem_shared>> -> memref<200x128xf32, #tpu.memory_space<vmem_shared>>
        tpu.wait_dma2 semaphore(%run_scoped3A : memref<!tpu.dma_semaphore, #tpu.memory_space<semaphore_mem>>) src(%arg11 : memref<200x128xf32, #tpu.memory_space<vmem>>) dst(%dma_wait3A_77 : memref<200x128xf32, #tpu.memory_space<vmem_shared>>)
        tpu.yield
      }) : () -> ()
    } else {
    }
    %add3A_23 = arith.constant 48 : i32
    %add3A_24 = arith.addi %arg1, %add3A_23 : i32
    %lt3A_25 = arith.constant 50 : i32
    %lt3A_26 = arith.cmpi slt, %add3A_24, %lt3A_25 : i32
    %convert_element_type3A_27 = arith.extui %lt3A_26 : i1 to i32
    %cond3A_28 = arith.constant 0 : i32
    %cond3A_29 = arith.cmpi ne, %convert_element_type3A_27, %cond3A_28 : i32
    scf.if %cond3A_29 {
      %mul3A_70 = arith.constant 200 : i32
      %mul3A_71 = arith.muli %add3A_24, %mul3A_70 : i32
      "tpu.region"() ({
        %run_scoped3A = tpu.sem_alloc : memref<!tpu.dma_semaphore, #tpu.memory_space<semaphore_mem>>
        %dma_start3A = arith.constant 0 : i32
        %dma_start3A_72 = tpu.memref_slice %arg12[%mul3A_71, %dma_start3A] : memref<10000x128xf32, #tpu.memory_space<vmem_shared>> -> memref<200x128xf32, #tpu.memory_space<vmem_shared>>
        %dma_start3A_73 = arith.constant 0 : i32
        %dma_start3A_74 = tpu.memref_slice %arg12[%mul3A_71, %dma_start3A_73] : memref<10000x128xf32, #tpu.memory_space<vmem_shared>> -> memref<200x128xf32, #tpu.memory_space<vmem_shared>>
        tpu.enqueue_dma source(%arg11 : memref<200x128xf32, #tpu.memory_space<vmem>>) target(%dma_start3A_74 : memref<200x128xf32, #tpu.memory_space<vmem_shared>>) target_semaphore(%run_scoped3A : memref<!tpu.dma_semaphore, #tpu.memory_space<semaphore_mem>>)
        %dma_wait3A = arith.constant 0 : i32
        %dma_wait3A_75 = tpu.memref_slice %arg12[%mul3A_71, %dma_wait3A] : memref<10000x128xf32, #tpu.memory_space<vmem_shared>> -> memref<200x128xf32, #tpu.memory_space<vmem_shared>>
        %dma_wait3A_76 = arith.constant 0 : i32
        %dma_wait3A_77 = tpu.memref_slice %arg12[%mul3A_71, %dma_wait3A_76] : memref<10000x128xf32, #tpu.memory_space<vmem_shared>> -> memref<200x128xf32, #tpu.memory_space<vmem_shared>>
        tpu.wait_dma2 semaphore(%run_scoped3A : memref<!tpu.dma_semaphore, #tpu.memory_space<semaphore_mem>>) src(%arg11 : memref<200x128xf32, #tpu.memory_space<vmem>>) dst(%dma_wait3A_77 : memref<200x128xf32, #tpu.memory_space<vmem_shared>>)
        tpu.yield
      }) : () -> ()
    } else {
    }
    %barrier3A = arith.constant 0 : index
    tpu.barrier barrier_id(%barrier3A)
    %mul3A = arith.constant 160000 : i32
    %mul3A_30 = arith.muli %arg0, %mul3A : i32
    %mul3A_31 = arith.constant 10000 : i32
    %mul3A_32 = arith.muli %arg1, %mul3A_31 : i32
    %add3A_33 = arith.addi %mul3A_30, %mul3A_32 : i32
    %scan3A_34 = arith.constant 0 : i32
    %scan3A_35 = arith.constant 0 : i32
    %scan3A_36 = arith.constant 125 : i32
    %scan3A_37 = arith.addi %scan3A_35, %scan3A_36 : i32
    %scan3A_38 = arith.constant 1 : i32
    %scan3A_39 = scf.for %scan3A_70 = %scan3A_35 to %scan3A_37 step %scan3A_38 iter_args(%scan3A_71 = %scan3A_34) -> (i32)  : i32 {
      %mul3A_72 = arith.constant 80 : i32
      %mul3A_73 = arith.muli %scan3A_70, %mul3A_72 : i32
      %add3A_74 = arith.addi %add3A_33, %mul3A_73 : i32
      "tpu.region"() ({
        %run_scoped3A = tpu.sem_alloc : memref<!tpu.dma_semaphore, #tpu.memory_space<semaphore_mem>>
        %dma_start3A_87 = tpu.memref_slice %arg3[%add3A_74] : memref<320000xi32, #tpu.memory_space<hbm>> -> memref<80xi32, #tpu.memory_space<hbm>>
        %dma_start3A_88 = tpu.memref_slice %arg3[%add3A_74] : memref<320000xi32, #tpu.memory_space<hbm>> -> memref<80xi32, #tpu.memory_space<hbm>>
        tpu.enqueue_dma source(%dma_start3A_88 : memref<80xi32, #tpu.memory_space<hbm>>) target(%arg7 : memref<80xi32, #tpu.memory_space<vmem>>) target_semaphore(%run_scoped3A : memref<!tpu.dma_semaphore, #tpu.memory_space<semaphore_mem>>)
        %dma_wait3A_89 = tpu.memref_slice %arg3[%add3A_74] : memref<320000xi32, #tpu.memory_space<hbm>> -> memref<80xi32, #tpu.memory_space<hbm>>
        %dma_wait3A_90 = tpu.memref_slice %arg3[%add3A_74] : memref<320000xi32, #tpu.memory_space<hbm>> -> memref<80xi32, #tpu.memory_space<hbm>>
        tpu.wait_dma2 semaphore(%run_scoped3A : memref<!tpu.dma_semaphore, #tpu.memory_space<semaphore_mem>>) src(%dma_wait3A_90 : memref<80xi32, #tpu.memory_space<hbm>>) dst(%arg7 : memref<80xi32, #tpu.memory_space<vmem>>)
        tpu.yield
      }) : () -> ()
      "tpu.region"() ({
        %run_scoped3A = tpu.sem_alloc : memref<!tpu.dma_semaphore, #tpu.memory_space<semaphore_mem>>
        %dma_start3A_87 = tpu.memref_slice %arg4[%add3A_74] : memref<320000xi32, #tpu.memory_space<hbm>> -> memref<80xi32, #tpu.memory_space<hbm>>
        %dma_start3A_88 = tpu.memref_slice %arg4[%add3A_74] : memref<320000xi32, #tpu.memory_space<hbm>> -> memref<80xi32, #tpu.memory_space<hbm>>
        tpu.enqueue_dma source(%dma_start3A_88 : memref<80xi32, #tpu.memory_space<hbm>>) target(%arg8 : memref<80xi32, #tpu.memory_space<vmem>>) target_semaphore(%run_scoped3A : memref<!tpu.dma_semaphore, #tpu.memory_space<semaphore_mem>>)
        %dma_wait3A_89 = tpu.memref_slice %arg4[%add3A_74] : memref<320000xi32, #tpu.memory_space<hbm>> -> memref<80xi32, #tpu.memory_space<hbm>>
        %dma_wait3A_90 = tpu.memref_slice %arg4[%add3A_74] : memref<320000xi32, #tpu.memory_space<hbm>> -> memref<80xi32, #tpu.memory_space<hbm>>
        tpu.wait_dma2 semaphore(%run_scoped3A : memref<!tpu.dma_semaphore, #tpu.memory_space<semaphore_mem>>) src(%dma_wait3A_90 : memref<80xi32, #tpu.memory_space<hbm>>) dst(%arg8 : memref<80xi32, #tpu.memory_space<vmem>>)
        tpu.yield
      }) : () -> ()
      "tpu.region"() ({
        %run_scoped3A = tpu.sem_alloc : memref<!tpu.dma_semaphore, #tpu.memory_space<semaphore_mem>>
        %dma_start3A_87 = arith.constant 0 : i32
        %dma_start3A_88 = tpu.memref_slice %arg5[%add3A_74, %dma_start3A_87] : memref<320000x128xf32, #tpu.memory_space<hbm>> -> memref<80x128xf32, #tpu.memory_space<hbm>>
        %dma_start3A_89 = arith.constant 0 : i32
        %dma_start3A_90 = tpu.memref_slice %arg5[%add3A_74, %dma_start3A_89] : memref<320000x128xf32, #tpu.memory_space<hbm>> -> memref<80x128xf32, #tpu.memory_space<hbm>>
        tpu.enqueue_dma source(%dma_start3A_90 : memref<80x128xf32, #tpu.memory_space<hbm>>) target(%arg9 : memref<80x128xf32, #tpu.memory_space<vmem>>) target_semaphore(%run_scoped3A : memref<!tpu.dma_semaphore, #tpu.memory_space<semaphore_mem>>)
        %dma_wait3A_91 = arith.constant 0 : i32
        %dma_wait3A_92 = tpu.memref_slice %arg5[%add3A_74, %dma_wait3A_91] : memref<320000x128xf32, #tpu.memory_space<hbm>> -> memref<80x128xf32, #tpu.memory_space<hbm>>
        %dma_wait3A_93 = arith.constant 0 : i32
        %dma_wait3A_94 = tpu.memref_slice %arg5[%add3A_74, %dma_wait3A_93] : memref<320000x128xf32, #tpu.memory_space<hbm>> -> memref<80x128xf32, #tpu.memory_space<hbm>>
        tpu.wait_dma2 semaphore(%run_scoped3A : memref<!tpu.dma_semaphore, #tpu.memory_space<semaphore_mem>>) src(%dma_wait3A_94 : memref<80x128xf32, #tpu.memory_space<hbm>>) dst(%arg9 : memref<80x128xf32, #tpu.memory_space<vmem>>)
        tpu.yield
      }) : () -> ()
      %dma_start3A = arith.constant 0 : i32
      %dma_start3A_75 = arith.constant 0 : i32
      %dma_start3A_76 = tpu.memref_slice %arg2[%dma_start3A, %dma_start3A_75] : memref<10000x128xf32, #tpu.memory_space<hbm>> -> memref<10000x128xf32, #tpu.memory_space<hbm>>
      tpu.enqueue_indirect_dma source(%dma_start3A_76 : memref<10000x128xf32, #tpu.memory_space<hbm>>) target(%arg10 : memref<80x128xf32, #tpu.memory_space<vmem>>) offsets(%arg7 : memref<80xi32, #tpu.memory_space<vmem>>) semaphore(%arg13 : memref<!tpu.dma_semaphore, #tpu.memory_space<semaphore_mem>>)
      %dma_wait3A = arith.constant 0 : i32
      %dma_wait3A_77 = arith.constant 0 : i32
      %dma_wait3A_78 = tpu.memref_slice %arg2[%dma_wait3A, %dma_wait3A_77] : memref<10000x128xf32, #tpu.memory_space<hbm>> -> memref<10000x128xf32, #tpu.memory_space<hbm>>
      tpu.wait_indirect_dma semaphore(%arg13 : memref<!tpu.dma_semaphore, #tpu.memory_space<semaphore_mem>>) src(%dma_wait3A_78 : memref<10000x128xf32, #tpu.memory_space<hbm>>) dst(%arg10 : memref<80x128xf32, #tpu.memory_space<vmem>>)
      %scan3A_79 = arith.constant 0 : i32
      %scan3A_80 = arith.constant 0 : i32
      %scan3A_81 = arith.constant 80 : i32
      %scan3A_82 = arith.addi %scan3A_80, %scan3A_81 : i32
      %scan3A_83 = arith.constant 1 : i32
      %scan3A_84 = scf.for %scan3A_87 = %scan3A_80 to %scan3A_82 step %scan3A_83 iter_args(%scan3A_88 = %scan3A_79) -> (i32)  : i32 {
        %get3A = arith.index_cast %scan3A_87 : i32 to index
        %get3A_89 = arith.constant 0 : index
        %get3A_90 = tpu.vector_load %arg9[%get3A, %get3A_89] {strides = array<i32>} : memref<80x128xf32, #tpu.memory_space<vmem>>, vector<1x16xf32>,
        %get3A_91 = vector.shape_cast %get3A_90 : vector<1x16xf32> to vector<16xf32>
        %get3A_92 = arith.index_cast %scan3A_87 : i32 to index
        %get3A_93 = arith.constant 0 : index
        %get3A_94 = tpu.vector_load %arg10[%get3A_92, %get3A_93] {strides = array<i32>} : memref<80x128xf32, #tpu.memory_space<vmem>>, vector<1x16xf32>,
        %get3A_95 = vector.shape_cast %get3A_94 : vector<1x16xf32> to vector<16xf32>
        %add3A_96 = arith.addf %get3A_91, %get3A_95 : vector<16xf32>
        %max3A = arith.constant 0.000000e+00 : f32
        %max3A_97 = vector.broadcast %max3A : f32 to vector<16xf32>
        %max3A_98 = arith.maximumf %add3A_96, %max3A_97 : vector<16xf32>
        %swap3A = arith.index_cast %scan3A_87 : i32 to index
        %swap3A_99 = arith.constant 0 : index
        %swap3A_100 = tpu.vector_load %arg9[%swap3A, %swap3A_99] {strides = array<i32>} : memref<80x128xf32, #tpu.memory_space<vmem>>, vector<1x16xf32>,
        %swap3A_101 = vector.shape_cast %swap3A_100 : vector<1x16xf32> to vector<16xf32>
        %swap3A_102 = vector.shape_cast %max3A_98 : vector<16xf32> to vector<1x16xf32>
        tpu.vector_store %arg9[%swap3A, %swap3A_99], %swap3A_102 {strides = array<i32>} : memref<80x128xf32, #tpu.memory_space<vmem>>, vector<1x16xf32>,
        %get3A_103 = arith.index_cast %scan3A_87 : i32 to index
        %get3A_104 = arith.constant 16 : index
        %get3A_105 = tpu.vector_load %arg9[%get3A_103, %get3A_104] {strides = array<i32>} : memref<80x128xf32, #tpu.memory_space<vmem>>, vector<1x16xf32>,
        %get3A_106 = vector.shape_cast %get3A_105 : vector<1x16xf32> to vector<16xf32>
        %get3A_107 = arith.index_cast %scan3A_87 : i32 to index
        %get3A_108 = arith.constant 16 : index
        %get3A_109 = tpu.vector_load %arg10[%get3A_107, %get3A_108] {strides = array<i32>} : memref<80x128xf32, #tpu.memory_space<vmem>>, vector<1x16xf32>,
        %get3A_110 = vector.shape_cast %get3A_109 : vector<1x16xf32> to vector<16xf32>
        %add3A_111 = arith.addf %get3A_106, %get3A_110 : vector<16xf32>
        %max3A_112 = arith.constant 0.000000e+00 : f32
        %max3A_113 = vector.broadcast %max3A_112 : f32 to vector<16xf32>
        %max3A_114 = arith.maximumf %add3A_111, %max3A_113 : vector<16xf32>
        %swap3A_115 = arith.index_cast %scan3A_87 : i32 to index
        %swap3A_116 = arith.constant 16 : index
        %swap3A_117 = tpu.vector_load %arg9[%swap3A_115, %swap3A_116] {strides = array<i32>} : memref<80x128xf32, #tpu.memory_space<vmem>>, vector<1x16xf32>,
        %swap3A_118 = vector.shape_cast %swap3A_117 : vector<1x16xf32> to vector<16xf32>
        %swap3A_119 = vector.shape_cast %max3A_114 : vector<16xf32> to vector<1x16xf32>
        tpu.vector_store %arg9[%swap3A_115, %swap3A_116], %swap3A_119 {strides = array<i32>} : memref<80x128xf32, #tpu.memory_space<vmem>>, vector<1x16xf32>,
        %get3A_120 = arith.index_cast %scan3A_87 : i32 to index
        %get3A_121 = arith.constant 32 : index
        %get3A_122 = tpu.vector_load %arg9[%get3A_120, %get3A_121] {strides = array<i32>} : memref<80x128xf32, #tpu.memory_space<vmem>>, vector<1x16xf32>,
        %get3A_123 = vector.shape_cast %get3A_122 : vector<1x16xf32> to vector<16xf32>
        %get3A_124 = arith.index_cast %scan3A_87 : i32 to index
        %get3A_125 = arith.constant 32 : index
        %get3A_126 = tpu.vector_load %arg10[%get3A_124, %get3A_125] {strides = array<i32>} : memref<80x128xf32, #tpu.memory_space<vmem>>, vector<1x16xf32>,
        %get3A_127 = vector.shape_cast %get3A_126 : vector<1x16xf32> to vector<16xf32>
        %add3A_128 = arith.addf %get3A_123, %get3A_127 : vector<16xf32>
        %max3A_129 = arith.constant 0.000000e+00 : f32
        %max3A_130 = vector.broadcast %max3A_129 : f32 to vector<16xf32>
        %max3A_131 = arith.maximumf %add3A_128, %max3A_130 : vector<16xf32>
        %swap3A_132 = arith.index_cast %scan3A_87 : i32 to index
        %swap3A_133 = arith.constant 32 : index
        %swap3A_134 = tpu.vector_load %arg9[%swap3A_132, %swap3A_133] {strides = array<i32>} : memref<80x128xf32, #tpu.memory_space<vmem>>, vector<1x16xf32>,
        %swap3A_135 = vector.shape_cast %swap3A_134 : vector<1x16xf32> to vector<16xf32>
        %swap3A_136 = vector.shape_cast %max3A_131 : vector<16xf32> to vector<1x16xf32>
        tpu.vector_store %arg9[%swap3A_132, %swap3A_133], %swap3A_136 {strides = array<i32>} : memref<80x128xf32, #tpu.memory_space<vmem>>, vector<1x16xf32>,
        %get3A_137 = arith.index_cast %scan3A_87 : i32 to index
        %get3A_138 = arith.constant 48 : index
        %get3A_139 = tpu.vector_load %arg9[%get3A_137, %get3A_138] {strides = array<i32>} : memref<80x128xf32, #tpu.memory_space<vmem>>, vector<1x16xf32>,
        %get3A_140 = vector.shape_cast %get3A_139 : vector<1x16xf32> to vector<16xf32>
        %get3A_141 = arith.index_cast %scan3A_87 : i32 to index
        %get3A_142 = arith.constant 48 : index
        %get3A_143 = tpu.vector_load %arg10[%get3A_141, %get3A_142] {strides = array<i32>} : memref<80x128xf32, #tpu.memory_space<vmem>>, vector<1x16xf32>,
        %get3A_144 = vector.shape_cast %get3A_143 : vector<1x16xf32> to vector<16xf32>
        %add3A_145 = arith.addf %get3A_140, %get3A_144 : vector<16xf32>
        %max3A_146 = arith.constant 0.000000e+00 : f32
        %max3A_147 = vector.broadcast %max3A_146 : f32 to vector<16xf32>
        %max3A_148 = arith.maximumf %add3A_145, %max3A_147 : vector<16xf32>
        %swap3A_149 = arith.index_cast %scan3A_87 : i32 to index
        %swap3A_150 = arith.constant 48 : index
        %swap3A_151 = tpu.vector_load %arg9[%swap3A_149, %swap3A_150] {strides = array<i32>} : memref<80x128xf32, #tpu.memory_space<vmem>>, vector<1x16xf32>,
        %swap3A_152 = vector.shape_cast %swap3A_151 : vector<1x16xf32> to vector<16xf32>
        %swap3A_153 = vector.shape_cast %max3A_148 : vector<16xf32> to vector<1x16xf32>
        tpu.vector_store %arg9[%swap3A_149, %swap3A_150], %swap3A_153 {strides = array<i32>} : memref<80x128xf32, #tpu.memory_space<vmem>>, vector<1x16xf32>,
        %get3A_154 = arith.index_cast %scan3A_87 : i32 to index
        %get3A_155 = arith.constant 64 : index
        %get3A_156 = tpu.vector_load %arg9[%get3A_154, %get3A_155] {strides = array<i32>} : memref<80x128xf32, #tpu.memory_space<vmem>>, vector<1x16xf32>,
        %get3A_157 = vector.shape_cast %get3A_156 : vector<1x16xf32> to vector<16xf32>
        %get3A_158 = arith.index_cast %scan3A_87 : i32 to index
        %get3A_159 = arith.constant 64 : index
        %get3A_160 = tpu.vector_load %arg10[%get3A_158, %get3A_159] {strides = array<i32>} : memref<80x128xf32, #tpu.memory_space<vmem>>, vector<1x16xf32>,
        %get3A_161 = vector.shape_cast %get3A_160 : vector<1x16xf32> to vector<16xf32>
        %add3A_162 = arith.addf %get3A_157, %get3A_161 : vector<16xf32>
        %max3A_163 = arith.constant 0.000000e+00 : f32
        %max3A_164 = vector.broadcast %max3A_163 : f32 to vector<16xf32>
        %max3A_165 = arith.maximumf %add3A_162, %max3A_164 : vector<16xf32>
        %swap3A_166 = arith.index_cast %scan3A_87 : i32 to index
        %swap3A_167 = arith.constant 64 : index
        %swap3A_168 = tpu.vector_load %arg9[%swap3A_166, %swap3A_167] {strides = array<i32>} : memref<80x128xf32, #tpu.memory_space<vmem>>, vector<1x16xf32>,
        %swap3A_169 = vector.shape_cast %swap3A_168 : vector<1x16xf32> to vector<16xf32>
        %swap3A_170 = vector.shape_cast %max3A_165 : vector<16xf32> to vector<1x16xf32>
        tpu.vector_store %arg9[%swap3A_166, %swap3A_167], %swap3A_170 {strides = array<i32>} : memref<80x128xf32, #tpu.memory_space<vmem>>, vector<1x16xf32>,
        %get3A_171 = arith.index_cast %scan3A_87 : i32 to index
        %get3A_172 = arith.constant 80 : index
        %get3A_173 = tpu.vector_load %arg9[%get3A_171, %get3A_172] {strides = array<i32>} : memref<80x128xf32, #tpu.memory_space<vmem>>, vector<1x16xf32>,
        %get3A_174 = vector.shape_cast %get3A_173 : vector<1x16xf32> to vector<16xf32>
        %get3A_175 = arith.index_cast %scan3A_87 : i32 to index
        %get3A_176 = arith.constant 80 : index
        %get3A_177 = tpu.vector_load %arg10[%get3A_175, %get3A_176] {strides = array<i32>} : memref<80x128xf32, #tpu.memory_space<vmem>>, vector<1x16xf32>,
        %get3A_178 = vector.shape_cast %get3A_177 : vector<1x16xf32> to vector<16xf32>
        %add3A_179 = arith.addf %get3A_174, %get3A_178 : vector<16xf32>
        %max3A_180 = arith.constant 0.000000e+00 : f32
        %max3A_181 = vector.broadcast %max3A_180 : f32 to vector<16xf32>
        %max3A_182 = arith.maximumf %add3A_179, %max3A_181 : vector<16xf32>
        %swap3A_183 = arith.index_cast %scan3A_87 : i32 to index
        %swap3A_184 = arith.constant 80 : index
        %swap3A_185 = tpu.vector_load %arg9[%swap3A_183, %swap3A_184] {strides = array<i32>} : memref<80x128xf32, #tpu.memory_space<vmem>>, vector<1x16xf32>,
        %swap3A_186 = vector.shape_cast %swap3A_185 : vector<1x16xf32> to vector<16xf32>
        %swap3A_187 = vector.shape_cast %max3A_182 : vector<16xf32> to vector<1x16xf32>
        tpu.vector_store %arg9[%swap3A_183, %swap3A_184], %swap3A_187 {strides = array<i32>} : memref<80x128xf32, #tpu.memory_space<vmem>>, vector<1x16xf32>,
        %get3A_188 = arith.index_cast %scan3A_87 : i32 to index
        %get3A_189 = arith.constant 96 : index
        %get3A_190 = tpu.vector_load %arg9[%get3A_188, %get3A_189] {strides = array<i32>} : memref<80x128xf32, #tpu.memory_space<vmem>>, vector<1x16xf32>,
        %get3A_191 = vector.shape_cast %get3A_190 : vector<1x16xf32> to vector<16xf32>
        %get3A_192 = arith.index_cast %scan3A_87 : i32 to index
        %get3A_193 = arith.constant 96 : index
        %get3A_194 = tpu.vector_load %arg10[%get3A_192, %get3A_193] {strides = array<i32>} : memref<80x128xf32, #tpu.memory_space<vmem>>, vector<1x16xf32>,
        %get3A_195 = vector.shape_cast %get3A_194 : vector<1x16xf32> to vector<16xf32>
        %add3A_196 = arith.addf %get3A_191, %get3A_195 : vector<16xf32>
        %max3A_197 = arith.constant 0.000000e+00 : f32
        %max3A_198 = vector.broadcast %max3A_197 : f32 to vector<16xf32>
        %max3A_199 = arith.maximumf %add3A_196, %max3A_198 : vector<16xf32>
        %swap3A_200 = arith.index_cast %scan3A_87 : i32 to index
        %swap3A_201 = arith.constant 96 : index
        %swap3A_202 = tpu.vector_load %arg9[%swap3A_200, %swap3A_201] {strides = array<i32>} : memref<80x128xf32, #tpu.memory_space<vmem>>, vector<1x16xf32>,
        %swap3A_203 = vector.shape_cast %swap3A_202 : vector<1x16xf32> to vector<16xf32>
        %swap3A_204 = vector.shape_cast %max3A_199 : vector<16xf32> to vector<1x16xf32>
        tpu.vector_store %arg9[%swap3A_200, %swap3A_201], %swap3A_204 {strides = array<i32>} : memref<80x128xf32, #tpu.memory_space<vmem>>, vector<1x16xf32>,
        %get3A_205 = arith.index_cast %scan3A_87 : i32 to index
        %get3A_206 = arith.constant 112 : index
        %get3A_207 = tpu.vector_load %arg9[%get3A_205, %get3A_206] {strides = array<i32>} : memref<80x128xf32, #tpu.memory_space<vmem>>, vector<1x16xf32>,
        %get3A_208 = vector.shape_cast %get3A_207 : vector<1x16xf32> to vector<16xf32>
        %get3A_209 = arith.index_cast %scan3A_87 : i32 to index
        %get3A_210 = arith.constant 112 : index
        %get3A_211 = tpu.vector_load %arg10[%get3A_209, %get3A_210] {strides = array<i32>} : memref<80x128xf32, #tpu.memory_space<vmem>>, vector<1x16xf32>,
        %get3A_212 = vector.shape_cast %get3A_211 : vector<1x16xf32> to vector<16xf32>
        %add3A_213 = arith.addf %get3A_208, %get3A_212 : vector<16xf32>
        %max3A_214 = arith.constant 0.000000e+00 : f32
        %max3A_215 = vector.broadcast %max3A_214 : f32 to vector<16xf32>
        %max3A_216 = arith.maximumf %add3A_213, %max3A_215 : vector<16xf32>
        %swap3A_217 = arith.index_cast %scan3A_87 : i32 to index
        %swap3A_218 = arith.constant 112 : index
        %swap3A_219 = tpu.vector_load %arg9[%swap3A_217, %swap3A_218] {strides = array<i32>} : memref<80x128xf32, #tpu.memory_space<vmem>>, vector<1x16xf32>,
        %swap3A_220 = vector.shape_cast %swap3A_219 : vector<1x16xf32> to vector<16xf32>
        %swap3A_221 = vector.shape_cast %max3A_216 : vector<16xf32> to vector<1x16xf32>
        tpu.vector_store %arg9[%swap3A_217, %swap3A_218], %swap3A_221 {strides = array<i32>} : memref<80x128xf32, #tpu.memory_space<vmem>>, vector<1x16xf32>,
        %scan3A_222 = arith.constant 0 : i32
        scf.yield %scan3A_222 : i32
      }
      %scan3A_85 = arith.constant 80 : i32
      "tpu.region"() ({
        %run_scoped3A = tpu.sem_alloc : memref<!tpu.dma_semaphore, #tpu.memory_space<semaphore_mem>>
        %dma_start3A_87 = arith.constant 0 : i32
        %dma_start3A_88 = arith.constant 0 : i32
        %dma_start3A_89 = tpu.memref_slice %arg12[%dma_start3A_87, %dma_start3A_88] : memref<10000x128xf32, #tpu.memory_space<vmem_shared>> -> memref<10000x128xf32, #tpu.memory_space<vmem_shared>>
        tpu.enqueue_indirect_dma source(%arg9 : memref<80x128xf32, #tpu.memory_space<vmem>>) target(%dma_start3A_89 : memref<10000x128xf32, #tpu.memory_space<vmem_shared>>) offsets(%arg8 : memref<80xi32, #tpu.memory_space<vmem>>) semaphore(%run_scoped3A : memref<!tpu.dma_semaphore, #tpu.memory_space<semaphore_mem>>) {add = true}
        %dma_wait3A_90 = arith.constant 0 : i32
        %dma_wait3A_91 = arith.constant 0 : i32
        %dma_wait3A_92 = tpu.memref_slice %arg12[%dma_wait3A_90, %dma_wait3A_91] : memref<10000x128xf32, #tpu.memory_space<vmem_shared>> -> memref<10000x128xf32, #tpu.memory_space<vmem_shared>>
        tpu.wait_indirect_dma semaphore(%run_scoped3A : memref<!tpu.dma_semaphore, #tpu.memory_space<semaphore_mem>>) src(%arg9 : memref<80x128xf32, #tpu.memory_space<vmem>>) dst(%dma_wait3A_92 : memref<10000x128xf32, #tpu.memory_space<vmem_shared>>)
        tpu.yield
      }) : () -> ()
      %scan3A_86 = arith.constant 0 : i32
      scf.yield %scan3A_86 : i32
    }
    %scan3A_40 = arith.constant 125 : i32
    %barrier3A_41 = arith.constant 0 : index
    tpu.barrier barrier_id(%barrier3A_41)
    %add3A_42 = arith.constant 0 : i32
    %add3A_43 = arith.addi %arg1, %add3A_42 : i32
    %lt3A_44 = arith.constant 50 : i32
    %lt3A_45 = arith.cmpi slt, %add3A_43, %lt3A_44 : i32
    %convert_element_type3A_46 = arith.extui %lt3A_45 : i1 to i32
    %cond3A_47 = arith.constant 0 : i32
    %cond3A_48 = arith.cmpi ne, %convert_element_type3A_46, %cond3A_47 : i32
    scf.if %cond3A_48 {
      %mul3A_70 = arith.constant 200 : i32
      %mul3A_71 = arith.muli %add3A_43, %mul3A_70 : i32
      "tpu.region"() ({
        %run_scoped3A = tpu.sem_alloc : memref<!tpu.dma_semaphore, #tpu.memory_space<semaphore_mem>>
        %dma_start3A = arith.constant 0 : i32
        %dma_start3A_72 = tpu.memref_slice %arg6[%arg0, %mul3A_71, %dma_start3A] : memref<2x10000x128xf32, #tpu.memory_space<hbm>> -> memref<1x200x128xf32, #tpu.memory_space<hbm>>
        %dma_start3A_73 = tpu.memref_squeeze %dma_start3A_72 : memref<1x200x128xf32, #tpu.memory_space<hbm>> -> memref<200x128xf32, #tpu.memory_space<hbm>>
        %dma_start3A_74 = arith.constant 0 : i32
        %dma_start3A_75 = tpu.memref_slice %arg12[%mul3A_71, %dma_start3A_74] : memref<10000x128xf32, #tpu.memory_space<vmem_shared>> -> memref<200x128xf32, #tpu.memory_space<vmem_shared>>
        tpu.enqueue_dma source(%dma_start3A_75 : memref<200x128xf32, #tpu.memory_space<vmem_shared>>) target(%dma_start3A_73 : memref<200x128xf32, #tpu.memory_space<hbm>>) target_semaphore(%run_scoped3A : memref<!tpu.dma_semaphore, #tpu.memory_space<semaphore_mem>>)
        %dma_wait3A = arith.constant 0 : i32
        %dma_wait3A_76 = tpu.memref_slice %arg6[%arg0, %mul3A_71, %dma_wait3A] : memref<2x10000x128xf32, #tpu.memory_space<hbm>> -> memref<1x200x128xf32, #tpu.memory_space<hbm>>
        %dma_wait3A_77 = tpu.memref_squeeze %dma_wait3A_76 : memref<1x200x128xf32, #tpu.memory_space<hbm>> -> memref<200x128xf32, #tpu.memory_space<hbm>>
        %dma_wait3A_78 = arith.constant 0 : i32
        %dma_wait3A_79 = tpu.memref_slice %arg12[%mul3A_71, %dma_wait3A_78] : memref<10000x128xf32, #tpu.memory_space<vmem_shared>> -> memref<200x128xf32, #tpu.memory_space<vmem_shared>>
        tpu.wait_dma2 semaphore(%run_scoped3A : memref<!tpu.dma_semaphore, #tpu.memory_space<semaphore_mem>>) src(%dma_wait3A_79 : memref<200x128xf32, #tpu.memory_space<vmem_shared>>) dst(%dma_wait3A_77 : memref<200x128xf32, #tpu.memory_space<hbm>>)
        tpu.yield
      }) : () -> ()
    } else {
    }
    %add3A_49 = arith.constant 16 : i32
    %add3A_50 = arith.addi %arg1, %add3A_49 : i32
    %lt3A_51 = arith.constant 50 : i32
    %lt3A_52 = arith.cmpi slt, %add3A_50, %lt3A_51 : i32
    %convert_element_type3A_53 = arith.extui %lt3A_52 : i1 to i32
    %cond3A_54 = arith.constant 0 : i32
    %cond3A_55 = arith.cmpi ne, %convert_element_type3A_53, %cond3A_54 : i32
    scf.if %cond3A_55 {
      %mul3A_70 = arith.constant 200 : i32
      %mul3A_71 = arith.muli %add3A_50, %mul3A_70 : i32
      "tpu.region"() ({
        %run_scoped3A = tpu.sem_alloc : memref<!tpu.dma_semaphore, #tpu.memory_space<semaphore_mem>>
        %dma_start3A = arith.constant 0 : i32
        %dma_start3A_72 = tpu.memref_slice %arg6[%arg0, %mul3A_71, %dma_start3A] : memref<2x10000x128xf32, #tpu.memory_space<hbm>> -> memref<1x200x128xf32, #tpu.memory_space<hbm>>
        %dma_start3A_73 = tpu.memref_squeeze %dma_start3A_72 : memref<1x200x128xf32, #tpu.memory_space<hbm>> -> memref<200x128xf32, #tpu.memory_space<hbm>>
        %dma_start3A_74 = arith.constant 0 : i32
        %dma_start3A_75 = tpu.memref_slice %arg12[%mul3A_71, %dma_start3A_74] : memref<10000x128xf32, #tpu.memory_space<vmem_shared>> -> memref<200x128xf32, #tpu.memory_space<vmem_shared>>
        tpu.enqueue_dma source(%dma_start3A_75 : memref<200x128xf32, #tpu.memory_space<vmem_shared>>) target(%dma_start3A_73 : memref<200x128xf32, #tpu.memory_space<hbm>>) target_semaphore(%run_scoped3A : memref<!tpu.dma_semaphore, #tpu.memory_space<semaphore_mem>>)
        %dma_wait3A = arith.constant 0 : i32
        %dma_wait3A_76 = tpu.memref_slice %arg6[%arg0, %mul3A_71, %dma_wait3A] : memref<2x10000x128xf32, #tpu.memory_space<hbm>> -> memref<1x200x128xf32, #tpu.memory_space<hbm>>
        %dma_wait3A_77 = tpu.memref_squeeze %dma_wait3A_76 : memref<1x200x128xf32, #tpu.memory_space<hbm>> -> memref<200x128xf32, #tpu.memory_space<hbm>>
        %dma_wait3A_78 = arith.constant 0 : i32
        %dma_wait3A_79 = tpu.memref_slice %arg12[%mul3A_71, %dma_wait3A_78] : memref<10000x128xf32, #tpu.memory_space<vmem_shared>> -> memref<200x128xf32, #tpu.memory_space<vmem_shared>>
        tpu.wait_dma2 semaphore(%run_scoped3A : memref<!tpu.dma_semaphore, #tpu.memory_space<semaphore_mem>>) src(%dma_wait3A_79 : memref<200x128xf32, #tpu.memory_space<vmem_shared>>) dst(%dma_wait3A_77 : memref<200x128xf32, #tpu.memory_space<hbm>>)
        tpu.yield
      }) : () -> ()
    } else {
    }
    %add3A_56 = arith.constant 32 : i32
    %add3A_57 = arith.addi %arg1, %add3A_56 : i32
    %lt3A_58 = arith.constant 50 : i32
    %lt3A_59 = arith.cmpi slt, %add3A_57, %lt3A_58 : i32
    %convert_element_type3A_60 = arith.extui %lt3A_59 : i1 to i32
    %cond3A_61 = arith.constant 0 : i32
    %cond3A_62 = arith.cmpi ne, %convert_element_type3A_60, %cond3A_61 : i32
    scf.if %cond3A_62 {
      %mul3A_70 = arith.constant 200 : i32
      %mul3A_71 = arith.muli %add3A_57, %mul3A_70 : i32
      "tpu.region"() ({
        %run_scoped3A = tpu.sem_alloc : memref<!tpu.dma_semaphore, #tpu.memory_space<semaphore_mem>>
        %dma_start3A = arith.constant 0 : i32
        %dma_start3A_72 = tpu.memref_slice %arg6[%arg0, %mul3A_71, %dma_start3A] : memref<2x10000x128xf32, #tpu.memory_space<hbm>> -> memref<1x200x128xf32, #tpu.memory_space<hbm>>
        %dma_start3A_73 = tpu.memref_squeeze %dma_start3A_72 : memref<1x200x128xf32, #tpu.memory_space<hbm>> -> memref<200x128xf32, #tpu.memory_space<hbm>>
        %dma_start3A_74 = arith.constant 0 : i32
        %dma_start3A_75 = tpu.memref_slice %arg12[%mul3A_71, %dma_start3A_74] : memref<10000x128xf32, #tpu.memory_space<vmem_shared>> -> memref<200x128xf32, #tpu.memory_space<vmem_shared>>
        tpu.enqueue_dma source(%dma_start3A_75 : memref<200x128xf32, #tpu.memory_space<vmem_shared>>) target(%dma_start3A_73 : memref<200x128xf32, #tpu.memory_space<hbm>>) target_semaphore(%run_scoped3A : memref<!tpu.dma_semaphore, #tpu.memory_space<semaphore_mem>>)
        %dma_wait3A = arith.constant 0 : i32
        %dma_wait3A_76 = tpu.memref_slice %arg6[%arg0, %mul3A_71, %dma_wait3A] : memref<2x10000x128xf32, #tpu.memory_space<hbm>> -> memref<1x200x128xf32, #tpu.memory_space<hbm>>
        %dma_wait3A_77 = tpu.memref_squeeze %dma_wait3A_76 : memref<1x200x128xf32, #tpu.memory_space<hbm>> -> memref<200x128xf32, #tpu.memory_space<hbm>>
        %dma_wait3A_78 = arith.constant 0 : i32
        %dma_wait3A_79 = tpu.memref_slice %arg12[%mul3A_71, %dma_wait3A_78] : memref<10000x128xf32, #tpu.memory_space<vmem_shared>> -> memref<200x128xf32, #tpu.memory_space<vmem_shared>>
        tpu.wait_dma2 semaphore(%run_scoped3A : memref<!tpu.dma_semaphore, #tpu.memory_space<semaphore_mem>>) src(%dma_wait3A_79 : memref<200x128xf32, #tpu.memory_space<vmem_shared>>) dst(%dma_wait3A_77 : memref<200x128xf32, #tpu.memory_space<hbm>>)
        tpu.yield
      }) : () -> ()
    } else {
    }
    %add3A_63 = arith.constant 48 : i32
    %add3A_64 = arith.addi %arg1, %add3A_63 : i32
    %lt3A_65 = arith.constant 50 : i32
    %lt3A_66 = arith.cmpi slt, %add3A_64, %lt3A_65 : i32
    %convert_element_type3A_67 = arith.extui %lt3A_66 : i1 to i32
    %cond3A_68 = arith.constant 0 : i32
    %cond3A_69 = arith.cmpi ne, %convert_element_type3A_67, %cond3A_68 : i32
    scf.if %cond3A_69 {
      %mul3A_70 = arith.constant 200 : i32
      %mul3A_71 = arith.muli %add3A_64, %mul3A_70 : i32
      "tpu.region"() ({
        %run_scoped3A = tpu.sem_alloc : memref<!tpu.dma_semaphore, #tpu.memory_space<semaphore_mem>>
        %dma_start3A = arith.constant 0 : i32
        %dma_start3A_72 = tpu.memref_slice %arg6[%arg0, %mul3A_71, %dma_start3A] : memref<2x10000x128xf32, #tpu.memory_space<hbm>> -> memref<1x200x128xf32, #tpu.memory_space<hbm>>
        %dma_start3A_73 = tpu.memref_squeeze %dma_start3A_72 : memref<1x200x128xf32, #tpu.memory_space<hbm>> -> memref<200x128xf32, #tpu.memory_space<hbm>>
        %dma_start3A_74 = arith.constant 0 : i32
        %dma_start3A_75 = tpu.memref_slice %arg12[%mul3A_71, %dma_start3A_74] : memref<10000x128xf32, #tpu.memory_space<vmem_shared>> -> memref<200x128xf32, #tpu.memory_space<vmem_shared>>
        tpu.enqueue_dma source(%dma_start3A_75 : memref<200x128xf32, #tpu.memory_space<vmem_shared>>) target(%dma_start3A_73 : memref<200x128xf32, #tpu.memory_space<hbm>>) target_semaphore(%run_scoped3A : memref<!tpu.dma_semaphore, #tpu.memory_space<semaphore_mem>>)
        %dma_wait3A = arith.constant 0 : i32
        %dma_wait3A_76 = tpu.memref_slice %arg6[%arg0, %mul3A_71, %dma_wait3A] : memref<2x10000x128xf32, #tpu.memory_space<hbm>> -> memref<1x200x128xf32, #tpu.memory_space<hbm>>
        %dma_wait3A_77 = tpu.memref_squeeze %dma_wait3A_76 : memref<1x200x128xf32, #tpu.memory_space<hbm>> -> memref<200x128xf32, #tpu.memory_space<hbm>>
        %dma_wait3A_78 = arith.constant 0 : i32
        %dma_wait3A_79 = tpu.memref_slice %arg12[%mul3A_71, %dma_wait3A_78] : memref<10000x128xf32, #tpu.memory_space<vmem_shared>> -> memref<200x128xf32, #tpu.memory_space<vmem_shared>>
        tpu.wait_dma2 semaphore(%run_scoped3A : memref<!tpu.dma_semaphore, #tpu.memory_space<semaphore_mem>>) src(%dma_wait3A_79 : memref<200x128xf32, #tpu.memory_space<vmem_shared>>) dst(%dma_wait3A_77 : memref<200x128xf32, #tpu.memory_space<hbm>>)
        tpu.yield
      }) : () -> ()
    } else {
    }
    return
  }
}

module attributes {stable_mosaic.version = 14 : i64} {
  func.func @_emb_body(%arg0: i32, %arg1: memref<2000x16xf32, #tpu.memory_space<vmem>>, %arg2: memref<16x128xf32, #tpu.memory_space<vmem>>, %arg3: memref<1x128xf32, #tpu.memory_space<vmem>>, %arg4: memref<2000x128xf32, #tpu.memory_space<vmem>>) attributes {dimension_semantics = [#tpu.dimension_semantics<arbitrary>], iteration_bounds = array<i64: 160>, scalar_prefetch = 0 : i64, scratch_operands = 0 : i64, tpu.core_type = #tpu.core_type<tc>, window_params = [{transform_indices = @transform_0, window_bounds = array<i64: 2000, 16>}, {pipeline_mode = #tpu.pipeline_mode<synchronous>, transform_indices = @transform_1, window_bounds = array<i64: 16, 128>}, {pipeline_mode = #tpu.pipeline_mode<synchronous>, transform_indices = @transform_2, window_bounds = array<i64: 1, 128>}, {transform_indices = @transform_3, window_bounds = array<i64: 2000, 128>}]} {
    %get3A = arith.constant 0 : index
    %get3A_0 = arith.constant 0 : index
    %get3A_1 = vector.load %arg1[%get3A, %get3A_0] : memref<2000x16xf32, #tpu.memory_space<vmem>>, vector<2000x16xf32>
    %get3A_2 = arith.constant 0 : index
    %get3A_3 = arith.constant 0 : index
    %get3A_4 = vector.load %arg2[%get3A_2, %get3A_3] : memref<16x128xf32, #tpu.memory_space<vmem>>, vector<16x128xf32>
    %dot_general3A = arith.constant dense<0.000000e+00> : vector<2000x128xf32>
    %dot_general3A_5 = tpu.matmul %get3A_1, %get3A_4, %dot_general3A {dimension_numbers = #tpu.dot_dimension_numbers<[1], [0], [0], [1], [0, 0, 1, 1], [], []>, transpose_lhs_hint = false} : vector<2000x16xf32>, vector<16x128xf32>, vector<2000x128xf32> -> vector<2000x128xf32>
    %get3A_6 = arith.constant 0 : index
    %get3A_7 = arith.constant 0 : index
    %get3A_8 = vector.load %arg3[%get3A_6, %get3A_7] : memref<1x128xf32, #tpu.memory_space<vmem>>, vector<1x128xf32>
    %add3A = vector.broadcast %get3A_8 : vector<1x128xf32> to vector<2000x128xf32>
    %add3A_9 = arith.addf %dot_general3A_5, %add3A : vector<2000x128xf32>
    %swap3A = arith.constant 0 : index
    %swap3A_10 = arith.constant 0 : index
    %swap3A_11 = vector.load %arg4[%swap3A, %swap3A_10] : memref<2000x128xf32, #tpu.memory_space<vmem>>, vector<2000x128xf32>
    tpu.vector_store %arg4[%swap3A, %swap3A_10], %add3A_9 {strides = array<i32>} : memref<2000x128xf32, #tpu.memory_space<vmem>>, vector<2000x128xf32>,
    return
  }
  func.func @transform_0(%arg0: i32) -> (i32, i32) {
    %c0_i32 = arith.constant 0 : i32
    %c0_i32_0 = arith.constant 0 : i32
    return %arg0, %c0_i32 : i32, i32
  }
  func.func @transform_1(%arg0: i32) -> (i32, i32) {
    %c0_i32 = arith.constant 0 : i32
    %c0_i32_0 = arith.constant 0 : i32
    %c0_i32_1 = arith.constant 0 : i32
    return %c0_i32, %c0_i32_0 : i32, i32
  }
  func.func @transform_2(%arg0: i32) -> (i32, i32) {
    %c0_i32 = arith.constant 0 : i32
    %c0_i32_0 = arith.constant 0 : i32
    %c0_i32_1 = arith.constant 0 : i32
    return %c0_i32, %c0_i32_0 : i32, i32
  }
  func.func @transform_3(%arg0: i32) -> (i32, i32) {
    %c0_i32 = arith.constant 0 : i32
    %c0_i32_0 = arith.constant 0 : i32
    return %arg0, %c0_i32 : i32, i32
  }
}

module attributes {stable_mosaic.version = 14 : i64} {
  func.func @_mlp_body(%arg0: i32, %arg1: memref<1000x128xf32, #tpu.memory_space<vmem>>, %arg2: memref<1x1000x128xf32, #tpu.memory_space<vmem>>, %arg3: memref<1x1000x128xf32, #tpu.memory_space<vmem>>, %arg4: memref<128x128xf32, #tpu.memory_space<vmem>>, %arg5: memref<1x128xf32, #tpu.memory_space<vmem>>, %arg6: memref<128x128xf32, #tpu.memory_space<vmem>>, %arg7: memref<1x128xf32, #tpu.memory_space<vmem>>, %arg8: memref<1000x128xf32, #tpu.memory_space<vmem>>) attributes {dimension_semantics = [#tpu.dimension_semantics<arbitrary>], iteration_bounds = array<i64: 10>, scalar_prefetch = 0 : i64, scratch_operands = 0 : i64, tpu.core_type = #tpu.core_type<tc>, window_params = [{transform_indices = @transform_0, window_bounds = array<i64: 1000, 128>}, {transform_indices = @transform_1, window_bounds = array<i64: 1, 1000, 128>}, {transform_indices = @transform_2, window_bounds = array<i64: 1, 1000, 128>}, {pipeline_mode = #tpu.pipeline_mode<synchronous>, transform_indices = @transform_3, window_bounds = array<i64: 128, 128>}, {pipeline_mode = #tpu.pipeline_mode<synchronous>, transform_indices = @transform_4, window_bounds = array<i64: 1, 128>}, {pipeline_mode = #tpu.pipeline_mode<synchronous>, transform_indices = @transform_5, window_bounds = array<i64: 128, 128>}, {pipeline_mode = #tpu.pipeline_mode<synchronous>, transform_indices = @transform_6, window_bounds = array<i64: 1, 128>}, {transform_indices = @transform_7, window_bounds = array<i64: 1000, 128>}]} {
    %get3A = arith.constant 0 : index
    %get3A_0 = arith.constant 0 : index
    %get3A_1 = vector.load %arg1[%get3A, %get3A_0] : memref<1000x128xf32, #tpu.memory_space<vmem>>, vector<1000x128xf32>
    %get3A_2 = arith.constant 0 : index
    %get3A_3 = arith.constant 0 : index
    %get3A_4 = arith.constant 0 : index
    %get3A_5 = vector.load %arg2[%get3A_2, %get3A_3, %get3A_4] : memref<1x1000x128xf32, #tpu.memory_space<vmem>>, vector<1x1000x128xf32>
    %get3A_6 = vector.shape_cast %get3A_5 : vector<1x1000x128xf32> to vector<1000x128xf32>
    %add3A = arith.addf %get3A_1, %get3A_6 : vector<1000x128xf32>
    %get3A_7 = arith.constant 0 : index
    %get3A_8 = arith.constant 0 : index
    %get3A_9 = arith.constant 0 : index
    %get3A_10 = vector.load %arg3[%get3A_7, %get3A_8, %get3A_9] : memref<1x1000x128xf32, #tpu.memory_space<vmem>>, vector<1x1000x128xf32>
    %get3A_11 = vector.shape_cast %get3A_10 : vector<1x1000x128xf32> to vector<1000x128xf32>
    %add3A_12 = arith.addf %add3A, %get3A_11 : vector<1000x128xf32>
    %get3A_13 = arith.constant 0 : index
    %get3A_14 = arith.constant 0 : index
    %get3A_15 = vector.load %arg4[%get3A_13, %get3A_14] : memref<128x128xf32, #tpu.memory_space<vmem>>, vector<128x128xf32>
    %dot_general3A = arith.constant dense<0.000000e+00> : vector<1000x128xf32>
    %dot_general3A_16 = tpu.matmul %add3A_12, %get3A_15, %dot_general3A {dimension_numbers = #tpu.dot_dimension_numbers<[1], [0], [0], [1], [0, 0, 1, 1], [], []>, transpose_lhs_hint = false} : vector<1000x128xf32>, vector<128x128xf32>, vector<1000x128xf32> -> vector<1000x128xf32>
    %get3A_17 = arith.constant 0 : index
    %get3A_18 = arith.constant 0 : index
    %get3A_19 = vector.load %arg5[%get3A_17, %get3A_18] : memref<1x128xf32, #tpu.memory_space<vmem>>, vector<1x128xf32>
    %add3A_20 = vector.broadcast %get3A_19 : vector<1x128xf32> to vector<1000x128xf32>
    %add3A_21 = arith.addf %dot_general3A_16, %add3A_20 : vector<1000x128xf32>
    %max3A = arith.constant 0.000000e+00 : f32
    %max3A_22 = vector.broadcast %max3A : f32 to vector<1000x128xf32>
    %max3A_23 = arith.maximumf %add3A_21, %max3A_22 : vector<1000x128xf32>
    %get3A_24 = arith.constant 0 : index
    %get3A_25 = arith.constant 0 : index
    %get3A_26 = vector.load %arg6[%get3A_24, %get3A_25] : memref<128x128xf32, #tpu.memory_space<vmem>>, vector<128x128xf32>
    %dot_general3A_27 = arith.constant dense<0.000000e+00> : vector<1000x128xf32>
    %dot_general3A_28 = tpu.matmul %max3A_23, %get3A_26, %dot_general3A_27 {dimension_numbers = #tpu.dot_dimension_numbers<[1], [0], [0], [1], [0, 0, 1, 1], [], []>, transpose_lhs_hint = false} : vector<1000x128xf32>, vector<128x128xf32>, vector<1000x128xf32> -> vector<1000x128xf32>
    %get3A_29 = arith.constant 0 : index
    %get3A_30 = arith.constant 0 : index
    %get3A_31 = vector.load %arg7[%get3A_29, %get3A_30] : memref<1x128xf32, #tpu.memory_space<vmem>>, vector<1x128xf32>
    %add3A_32 = vector.broadcast %get3A_31 : vector<1x128xf32> to vector<1000x128xf32>
    %add3A_33 = arith.addf %dot_general3A_28, %add3A_32 : vector<1000x128xf32>
    %swap3A = arith.constant 0 : index
    %swap3A_34 = arith.constant 0 : index
    %swap3A_35 = vector.load %arg8[%swap3A, %swap3A_34] : memref<1000x128xf32, #tpu.memory_space<vmem>>, vector<1000x128xf32>
    tpu.vector_store %arg8[%swap3A, %swap3A_34], %add3A_33 {strides = array<i32>} : memref<1000x128xf32, #tpu.memory_space<vmem>>, vector<1000x128xf32>,
    return
  }
  func.func @transform_0(%arg0: i32) -> (i32, i32) {
    %c0_i32 = arith.constant 0 : i32
    %c0_i32_0 = arith.constant 0 : i32
    return %arg0, %c0_i32 : i32, i32
  }
  func.func @transform_1(%arg0: i32) -> (i32, i32, i32) {
    %c0_i32 = arith.constant 0 : i32
    %c0_i32_0 = arith.constant 0 : i32
    %c0_i32_1 = arith.constant 0 : i32
    return %c0_i32, %arg0, %c0_i32_0 : i32, i32, i32
  }
  func.func @transform_2(%arg0: i32) -> (i32, i32, i32) {
    %c1_i32 = arith.constant 1 : i32
    %c0_i32 = arith.constant 0 : i32
    %c0_i32_0 = arith.constant 0 : i32
    return %c1_i32, %arg0, %c0_i32 : i32, i32, i32
  }
  func.func @transform_3(%arg0: i32) -> (i32, i32) {
    %c0_i32 = arith.constant 0 : i32
    %c0_i32_0 = arith.constant 0 : i32
    %c0_i32_1 = arith.constant 0 : i32
    return %c0_i32, %c0_i32_0 : i32, i32
  }
  func.func @transform_4(%arg0: i32) -> (i32, i32) {
    %c0_i32 = arith.constant 0 : i32
    %c0_i32_0 = arith.constant 0 : i32
    %c0_i32_1 = arith.constant 0 : i32
    return %c0_i32, %c0_i32_0 : i32, i32
  }
  func.func @transform_5(%arg0: i32) -> (i32, i32) {
    %c0_i32 = arith.constant 0 : i32
    %c0_i32_0 = arith.constant 0 : i32
    %c0_i32_1 = arith.constant 0 : i32
    return %c0_i32, %c0_i32_0 : i32, i32
  }
  func.func @transform_6(%arg0: i32) -> (i32, i32) {
    %c0_i32 = arith.constant 0 : i32
    %c0_i32_0 = arith.constant 0 : i32
    %c0_i32_1 = arith.constant 0 : i32
    return %c0_i32, %c0_i32_0 : i32, i32
  }
  func.func @transform_7(%arg0: i32) -> (i32, i32) {
    %c0_i32 = arith.constant 0 : i32
    %c0_i32_0 = arith.constant 0 : i32
    return %arg0, %c0_i32 : i32, i32
  }
}

</mosaic_0001>

<sc_bundles>
// kernel: kernel.5.cloned.1.call-start
scs
__scs_entry_jumppad:
0x0: {  	(pc) =	sbr.rel $0x88, $3  }
0x1: {  	(tag) =	ssettag $0x0;
	lr =	simm.s32 $0x1  }
0x2: {  	[smem:$0x3F98] =	sst lr;
	_ =	strace $0xD0000000  }
0x3: {  	_ = 	snop  }
0x4: {  	_ = 	snop  }
0x5: {  	_ = 	snop  }
0x6: {  	_ = 	snop  }
0x7: {  	_ = 	snop  }
__scs_overlays_trampoline_lowered:
0x8: {  	[smem:$0x3FA7] =	sst s0  }
0x9: {  	[smem:$0x3FA8] =	sst s1  }
0xa: {  	[smem:$0x3FA9] =	sst s2  }
0xb: {  	[smem:$0x3FAA] =	sst s3  }
0xc: {  	[smem:$0x3FAB] =	sst s4  }
0xd: {  	[smem:$0x3FAC] =	sst s5  }
0xe: {  	[smem:$0x3FAD] =	sst s6  }
0xf: {  	[smem:$0x3FAE] =	sst s7  }
0x10: {  	[smem:$0x3FAF] =	sst s8  }
0x11: {  	[smem:$0x3FB0] =	sst s9;
	s0 =	simm.s32 @!p0 $0x0  }
0x12: {  	s1 =	sld [smem:$0x3F96];
	s0 =	simm.s32 @p0 $0x1  }
0x13: {  	[smem:$0x3FB1] =	sst s0;
	s0 =	simm.s32 @!p1 $0x0  }
0x14: {  	s2 =	sld [smem:$0x3F95];
	s0 =	simm.s32 @p1 $0x1  }
0x15: {  	[smem:$0x3FB2] =	sst s0;
	s0 =	simm.s32 @!p2 $0x0  }
0x16: {  	s3 =	sld [smem:$0x3FDB];
	s0 =	simm.s32 @p2 $0x1  }
0x17: {  	s4 =	simm.s32 $0x1BF5;
	[smem:$0x3FB4] =	sst s0  }
0x18: {  	s0 =	sld [smem:$0x3F97];
	_ =	swait.ge [sflag:s4], $0x0  }
0x19: {  	s7 =	sld [smem:$0x3F98]  }
0x1a: {  	s8 =	sadd.s32 $0xFFFFE003, lr  }
0x1b: {  	s9 =	sadd.s32 $0xFFFFFEF7, lr;
	s5 =	simm.s32 $0xFFFFFFFF;
	p2 =	slt.u32 s8, $0xFFFFF086  }
0x1c: {  	p1 =	slt.u32 s9, $0xF7A;
	s5 =	simm.s32 @!p2 $0x0  }
0x1d: {  	s5 =	simm.s32 @p1 $0x1;
	p0 =	seq.s32 s7, s2  }
0x1e: {  	s7 =	smul.u32 @!p0 $0xF7A, s2;
	p2 =	seq.s32 @!p0 s5, $0x0  }
0x1f: {  	s9 =	smul.u32 $0xF7A, s1;
	s8 =	simm.s32 @!p0 $0x1BF5;
	p2 =	por !p2, p0  }
0x20: {  	[sflag:s8] =	ssyncset.s32 @!p0 $0xFFFFF086;
	s6 =	sadd.s32 @!p0 s3, s7;
	s7 =	simm.s32 @!p0 $0x108  }
0x21: {  	s3 =	sadd.s32 s3, s9;
	s6 =	sadd.s32 @!p0 $0x88, s6;
	s7 =	simm.s32 @p2 $0x1082  }
0x22: {  	[simem:s7], [sflag:s8] =	dma.local @!p0 [hbm:s6], $0xF7A  }
0x23: {  	s9 =	sor.u32 $0xD0000000, s2;
	s6 =	simm.s32 $0x108;
	_ =	swait.ge @!p0 [sflag:s8], $0x0  }
0x24: {  	s3 =	sadd.s32 $0x88, s3;
	s6 =	simm.s32 @!p1 $0x1082;
	[sflag:s4] =	ssyncset.s32 $0xFFFFF086  }
0x25: {  	[simem:s6], [sflag:s4] =	dma.local [hbm:s3], $0xF7A  }
0x26: {  	[smem:$0x3F98] =	sst s1;
	(tag) =	ssettag s2;
	_ =	strace s9  }
0x27: {  	s1 =	sld [smem:$0x3FA8]  }
0x28: {  	s2 =	sld [smem:$0x3FA9]  }
0x29: {  	s4 =	sld [smem:$0x3FAB]  }
0x2a: {  	p0 =	seq.s32 s5, $0x0;
	s5 =	sld [smem:$0x3FAC]  }
0x2b: {  	s6 =	sld [smem:$0x3FAD]  }
0x2c: {  	s7 =	sld [smem:$0x3FAE]  }
0x2d: {  	s3 =	simm.s32 $0x108;
	s8 =	sld [smem:$0x3FAF]  }
0x2e: {  	s3 =	simm.s32 @!p0 $0x1082;
	s9 =	sld [smem:$0x3FB0]  }
0x2f: {  	lr =	sadd.s32 s0, s3;
	s0 =	sld [smem:$0x3FA7]  }
0x30: {  	s3 =	sld [smem:$0x3FAA]  }
0x31: {  	[smem:$0x3FB3] =	sst s10  }
0x32: {  	s10 =	sld [smem:$0x3FB1];
	_ =	sdelay $0x3  }
0x33: {  	p0 =	seq.s32 s10, $0x1;
	s10 =	sld [smem:$0x3FB3];
	_ =	sdelay $0x3  }
0x34: {  	[smem:$0x3FB3] =	sst s10  }
0x35: {  	s10 =	sld [smem:$0x3FB2];
	_ =	sdelay $0x3  }
0x36: {  	p1 =	seq.s32 s10, $0x1;
	s10 =	sld [smem:$0x3FB3];
	_ =	sdelay $0x3  }
0x37: {  	[smem:$0x3FB3] =	sst s10  }
0x38: {  	s10 =	sld [smem:$0x3FB4]  }
0x39: {  	_ = 	snop;
	(pc) =	sbr.ind lr, $3  }
0x3a: {  	_ = 	snop  }
0x3b: {  	_ = 	snop  }
0x3c: {  	p2 =	seq.s32 s10, $0x1;
	s10 =	sld [smem:$0x3FB3]  }
0x3d: {  	_ =	shalt  }
0x3e: {  	_ =	shalt  }
0x3f: {  	_ =	shalt  }
0x40: {  	_ =	shalt  }
0x41: {  	_ =	shalt  }
0x42: {  	_ =	shalt  }
0x43: {  	_ =	shalt  }
0x44: {  	_ =	shalt  }
0x45: {  	_ =	shalt  }
0x46: {  	_ =	shalt  }
0x47: {  	_ =	shalt  }
0x48: {  	_ =	shalt  }
0x49: {  	_ =	shalt  }
0x4a: {  	_ =	shalt  }
0x4b: {  	_ =	shalt  }
0x4c: {  	_ =	shalt  }
0x4d: {  	_ =	shalt  }
0x4e: {  	_ =	shalt  }
0x4f: {  	_ =	shalt  }
0x50: {  	_ =	shalt  }
0x51: {  	_ =	shalt  }
0x52: {  	_ =	shalt  }
0x53: {  	_ =	shalt  }
0x54: {  	_ =	shalt  }
0x55: {  	_ =	shalt  }
0x56: {  	_ =	shalt  }
0x57: {  	_ =	shalt  }
0x58: {  	_ =	shalt  }
0x59: {  	_ =	shalt  }
0x5a: {  	_ =	shalt  }
0x5b: {  	_ =	shalt  }
0x5c: {  	_ =	shalt  }
0x5d: {  	_ =	shalt  }
0x5e: {  	_ =	shalt  }
0x5f: {  	_ =	shalt  }
0x60: {  	_ =	shalt  }
0x61: {  	_ =	shalt  }
0x62: {  	_ =	shalt  }
0x63: {  	_ =	shalt  }
0x64: {  	_ =	shalt  }
0x65: {  	_ =	shalt  }
0x66: {  	_ =	shalt  }
0x67: {  	_ =	shalt  }
0x68: {  	_ =	shalt  }
0x69: {  	_ =	shalt  }
0x6a: {  	_ =	shalt  }
0x6b: {  	_ =	shalt  }
0x6c: {  	_ =	shalt  }
0x6d: {  	_ =	shalt  }
0x6e: {  	_ =	shalt  }
0x6f: {  	_ =	shalt  }
0x70: {  	_ =	shalt  }
0x71: {  	_ =	shalt  }
0x72: {  	_ =	shalt  }
0x73: {  	_ =	shalt  }
0x74: {  	_ =	shalt  }
0x75: {  	_ =	shalt  }
0x76: {  	_ =	shalt  }
0x77: {  	_ =	shalt  }
0x78: {  	_ =	shalt  }
0x79: {  	_ =	shalt  }
0x7a: {  	_ =	shalt  }
0x7b: {  	_ =	shalt  }
0x7c: {  	_ =	shalt  }
0x7d: {  	_ =	shalt  }
0x7e: {  	_ =	shalt  }
0x7f: {  	_ =	shalt  }
0x80: {  	_ =	shalt  }
0x81: {  	_ =	shalt  }
0x82: {  	_ =	shalt  }
0x83: {  	_ =	shalt  }
0x84: {  	_ =	shalt  }
0x85: {  	_ =	shalt  }
0x86: {  	_ =	shalt  }
0x87: {  	_ =	shalt  }
.Lfunc_end0:
.L_simem_size_0:
called_computation_lowered:
.L_overlay_start_0:
0x88: {  	s2 =	sld [smem:$0x3FD9]  }
0x89: {  	s3 =	sld [smem:$0x3FFE];
	_ =	sdelay $0x1  }
0x8a: {  	s1 =	srdreg.scid  }
0x8b: {  	s0 =	sand.u32 $0x1, s1  }
0x8c: {  	s17 =	sshll.u32 s0, $0xA;
	s2 =	sadd.s32 s3, s2  }
0x8d: {  	s2 =	sadd.s32 s2, s17  }
0x8e: {  	[smem:$0x3FBF] =	sst s2  }
0x8f: {  	_ = 	snop  }
0x90: {  	s2 =	sld [smem:$0x3FC9]  }
0x91: {  	s18 =	sld [smem:$0x3FD0];
	(tm) =	ssettm $0x1  }
0x92: {  	s4 =	sld [smem:$0x3FFB];
	_ =	sdelay $0x3  }
0x93: {  	_ =	strace s4  }
0x94: {  	s4 =	sld [smem:$0x3FFC];
	_ =	sdelay $0x3  }
0x95: {  	_ =	strace s4  }
0x96: {  	s4 =	sld [smem:$0x3FFD];
	_ =	sdelay $0x3  }
0x97: {  	_ =	strace s4  }
0x98: {  	_ =	strace $0x8FFFFFFF  }
0x99: {  	s19 =	sld [smem:$0x3FDB];
	_ =	sdelay $0x1  }
0x9a: {  	s5 =	simm.s32 $_scs_section_size  }
0x9b: {  	s6 =	simm.s32 $_size__tile_overlayer_lowered;
	s7 =	simm.s32 $_tile_overlayer_lowered  }
0x9c: {  	s22 =	simm.s32 $0x1BFF;
	s21 =	sshll.u32 s7, $0x1;
	s4 =	sadd.s32 s5, s19  }
0x9d: {  	s8 =	simm.s32 $0x0;
	s20 =	sshll.u32 s6, $0x1;
	s6 =	sadd.s32 s21, s4  }
0x9e: {  	[timem:s8], [sflag:s22] =	dma.local [hbm:s6], s20  }
0x9f: {  	_ =	swait.ge [sflag:s22], s20  }
0xa0: {  	s5 =	ssub.s32 $0x0, s20;
	[sflag:s22] =	ssyncset.done $0x0  }
0xa1: {  	[sflag:s22] =	ssyncadd.s32 s5;
	_ =	sdelay $0x1  }
0xa2: {  	s23 =	simm.s32 $0x1B8B  }
0xa3: {  	_ =	swait.ge [sflag:s23], $0x1  }
0xa4: {  	[sflag:s23] =	ssyncset.done $0x0  }
0xa5: {  	s25 =	simm.s32 $0x1B8E;
	s24 =	sld [smem:$0x3FFE];
	[sflag:s23] =	ssyncadd.s32 $0xFFFFFFFF  }
0xa6: {  	s26 =	simm.s32 $execute0_lowered;
	[smem:$0x3FD2] =	sst s25  }
0xa7: {  	s6 =	sshll.u32 s26, $0x1;
	_ =	strace $0x80000046;
	[dreg:$0x1] =	wrdreg $0xFFFFFFFF  }
0xa8: {  	s28 =	simm.s32 $_size_execute0_lowered;
	s4 =	sadd.s32 s4, s6;
	[dreg:$0x0] =	wrdreg $0x0  }
0xa9: {  	s6 =	sshll.u32 s28, $0x1;
	[dreg:$0x2] =	wrdreg s4  }
0xaa: {  	[dreg:$0x3] =	wrdreg s6  }
0xab: {  	[dreg:$0x4] =	wrdreg $0xC0  }
0xac: {  	_ =	task [dreg:s8], $0x5FFFF  }
0xad: {  	[dreg:$0x1] =	wrdreg $0xFFFFFFFF  }
0xae: {  	[dreg:$0x0] =	wrdreg $0x60  }
0xaf: {  	[dreg:$0x2] =	wrdreg s2  }
0xb0: {  	[dreg:$0x3] =	wrdreg s24  }
0xb1: {  	[dreg:$0x4] =	wrdreg s18  }
0xb2: {  	[dreg:$0x5] =	wrdreg $0xB5000  }
0xb3: {  	[dreg:$0x6] =	wrdreg $0x9  }
0xb4: {  	_ =	task.clear_ibuf [dreg:s8], $0x7FFFF;
	_ =	strace $0x90000046  }
0xb5: {  	s29 =	simm.s32 $0x9;
	_ =	strace $0x80000048  }
0xb6: {  	_ =	swait.ge [sflag:s29], $0x1  }
0xb7: {  	[sflag:s29] =	ssyncadd.s32 $0xFFFFFFFF  }
0xb8: {  	_ =	strace $0x90000048  }
0xb9: {  	_ =	sfence  }
0xba: {  	s30 =	sld [smem:$0x0];
	_ =	sdelay $0x2  }
0xbb: {  	s31 =	sshll.u32 s1, $0xD;
	s1 =	sshrl.u32 s1, $0x2  }
0xbc: {  	s3 =	sand.u32 $0x4000, s31;
	s1 =	sadd.s32 s1, s30  }
0xbd: {  	s0 =	sor.u32 s3, s0;
	s1 =	sshll.u32 s1, $0x11  }
0xbe: {  	s0 =	sor.u32 s1, s0  }
0xbf: {  	s0 =	sadd.s32 $0x8F2B, s0  }
0xc0: {  	[sflag:s0] =	ssyncadd.remote.s32 $0x1  }
0xc1: {  	_ =	sfence.sel $0xFFFF  }
0xc2: {  	[dreg:$0x0] =	wrdreg $0xFFFFFFFF;
	(pc) =	sbr.abs _section_cstart, $3  }
0xc3: {  	[dreg:$0x1] =	wrdreg $0xFFFFFFFF  }
0xc4: {  	_ =	task.clear_ibuf [dreg:s8], $0x2FFFF;
	_ =	strace $0x9FFFFFFF  }
0xc5: {  	(tm) =	ssettm $0x7FFFFFFF  }
tec
execute0_lowered:
.L_overlay_start_1:
0x0: {  	(tag) =	ssettag $0x1  }
0x1: {  	s1 =	rddreg [dreg:$0x0]  }
0x2: {  	s8 =	rddreg [dreg:$0x1]  }
0x3: {  	s3 =	rddreg [dreg:$0x2]  }
0x4: {  	s4 =	rddreg [dreg:$0x3];
	s2 =	stileid.u32  }
0x5: {  	s0 =	rddreg [dreg:$0x4];
	s9 =	smul.u32 $0x19000, s2  }
0x6: {  	s5 =	simm.s32 $0x0;
	s7 =	srdreg.scid;
	s20 =	smul.u32 $0x2710, s2  }
0x7: {  	[smem:$0x7FF] =	sst s5;
	s10 =	sor.u32 $0x10, s2;
	s23 =	smul.u32 $0x6400, s2  }
0x8: {  	s12 =	sor.u32 $0x20, s2;
	s14 =	sor.u32 $0x30, s2;
	s11 =	smul.u32 $0x19000, s10  }
0x9: {  	s6 =	sadd.s32 $0xC00, s8;
	s15 =	sand.u32 $0x1, s7;
	s13 =	smul.u32 $0x19000, s12  }
0xa: {  	s7 =	sadd.s32 $0x4ECA00, s8;
	s19 =	sadd.s32 $0xAA00, s8;
	s16 =	smul.u32 $0x19000, s14  }
0xb: {  	p0 =	sgt.u32 s2, $0x1;
	s17 =	ssub.s32 $0x2, s15;
	s18 =	smul.u32 $0x27100, s15  }
0xc: {  	_ =	strace $0x80000047;
	s15 =	smul.u32 $0x138800, s15;
	s31 =	sshrl.u32 s17, $0x1  }
0xd: {  	s14 =	smul.u32 $0x6400, s14;
	s21 =	sshrl.u32 s9, $0x2;
	s17 =	ssub.s32 s17, s31  }
0xe: {  	s8 =	sadd.s32 s21, s4;
	s22 =	sshrl.u32 s11, $0x2;
	s13 =	sshrl.u32 s13, $0x2  }
0xf: {  	s21 =	smul.u32 $0x6400, s10;
	s11 =	sadd.s32 s23, s15;
	s24 =	sshrl.u32 s16, $0x2  }
0x10: {  	s14 =	sadd.s32 s15, s14;
	s23 =	simm.s32 $0x2900;
	s9 =	sadd.s32 s22, s4  }
0x11: {  	s10 =	sadd.s32 s13, s4;
	s22 =	smul.u32 $0x6400, s12;
	s25 =	sshrl.u32 s11, $0x3  }
0x12: {  	s11 =	sadd.s32 s24, s4;
	s12 =	sadd.s32 s20, s18;
	s31 =	sshrl.u32 s14, $0x3  }
0x13: {  	s17 =	smax.u32 s17, $0x1;
	s18 =	simm.s32 $0x5100;
	s20 =	simm.s32 $0x80  }
0x14: {  	s24 =	simm.s32 $0x1;
	s13 =	sadd.s32 s19, s25;
	s26 =	sadd.s32 s15, s21  }
0x15: {  	s16 =	sadd.s32 s19, s31;
	s21 =	simm.s32 $0x100;
	s28 =	sadd.s32 s15, s22  }
0x16: {  	s29 =	sshrl.u32 s26, $0x3;
	s22 =	simm.s32 $0x50;
	s30 =	sshrl.u32 s28, $0x3  }
0x17: {  	v0 =	vimm.f32 $0.0e+00;
	s14 =	sadd.s32 s19, s29;
	s15 =	sadd.s32 s19, s30;
	s19 =	simm.s32 $0x2  }
.LBB2_1:
0x18: {  	s25 =	simm.s32 $0x0;
	s26 =	simm.s32 $0x200  }
.LBB2_2:
0x19: {  	p1 =	sne.s32 s26, $0x18E00;
	[tilespmem:s25+$0x5170] =	vst v0  }
0x1a: {  	[tilespmem:s25+$0x5100] =	vst v0  }
0x1b: {  	[tilespmem:s25+$0x5110] =	vst v0  }
.Ltmp0:
0x1c: {  	[tilespmem:s25+$0x5120] =	vst v0;
	(pc) =	sbr.rel @p1 .LBB2_2-.Ltmp0, $4  }
0x1d: {  	[tilespmem:s25+$0x5130] =	vst v0  }
0x1e: {  	[tilespmem:s25+$0x5140] =	vst v0  }
0x1f: {  	[tilespmem:s25+$0x5150] =	vst v0  }
0x20: {  	[tilespmem:s25+$0x5160] =	vst v0;
	s25 =	sshra.s32 s26, $0x2;
	s26 =	sadd.s32 $0x200, s26  }
0x21: {  	[tilespmem:s25+$0x5170] =	vst v0  }
0x22: {  	[tilespmem:s25+$0x5100] =	vst v0  }
0x23: {  	[tilespmem:s25+$0x5110] =	vst v0  }
0x24: {  	[tilespmem:s25+$0x5120] =	vst v0  }
0x25: {  	[tilespmem:s25+$0x5130] =	vst v0  }
0x26: {  	[tilespmem:s25+$0x5140] =	vst v0  }
0x27: {  	[tilespmem:s25+$0x5150] =	vst v0  }
0x28: {  	[tilespmem:s25+$0x5160] =	vst v0  }
0x29: {  	[spmem:s8] =	stream.linear.scatter [tilespmem:s18], [sflag:$0x2], $0x6400, $0x38;
	[tilespmem:$0x1ED80] =	vst v63  }
0x2a: {  	_ =	swait.ge [sflag:s19], $0x6400  }
0x2b: {  	[sflag:s19] =	ssyncset.done $0x0  }
0x2c: {  	[sflag:s19] =	ssyncadd.s32 $0xFFFF9C00  }
0x2d: {  	[spmem:s9] =	stream.linear.scatter [tilespmem:s18], [sflag:$0x2], $0x6400, $0x38;
	[tilespmem:$0x1ED80] =	vst v63  }
0x2e: {  	_ =	swait.ge [sflag:s19], $0x6400  }
0x2f: {  	[sflag:s19] =	ssyncset.done $0x0  }
0x30: {  	[sflag:s19] =	ssyncadd.s32 $0xFFFF9C00  }
0x31: {  	[spmem:s10] =	stream.linear.scatter [tilespmem:s18], [sflag:$0x2], $0x6400, $0x38;
	[tilespmem:$0x1ED80] =	vst v63  }
0x32: {  	_ =	swait.ge [sflag:s19], $0x6400  }
0x33: {  	[sflag:s19] =	ssyncset.done $0x0  }
0x34: {  	s25 =	simm.s32 @!p0 $0x5100;
	[sflag:s19] =	ssyncadd.s32 $0xFFFF9C00  }
0x35: {  	[spmem:s11] =	stream.linear.scatter @!p0 [tilespmem:s25], [sflag:$0x2], $0x6400, $0x38;
	[tilespmem:$0x1ED80] =	vst v63  }
0x36: {  	s25 =	simm.s32 @!p0 $0x2  }
0x37: {  	_ =	swait.ge @!p0 [sflag:s25], $0x6400  }
0x38: {  	[sflag:s25] =	ssyncset.done @!p0 $0x0  }
0x39: {  	[sflag:s25] =	ssyncadd.s32 @!p0 $0xFFFF9C00  }
0x3a: {  	s26 =	simm.s32 $0x0;
	s25 =	simm.s32 $0x0;
	[bflag:$0x0] =	sbarrier.arrive $0xFFFF  }
.LBB2_4:
0x3b: {  	s28 =	smul.u32 $0x50, s26;
	_ =	sdelay $0x1  }
0x3c: {  	s28 =	sadd.s32 s28, s12  }
0x3d: {  	s29 =	sshrl.u32 s28, $0x3  }
0x3e: {  	s30 =	sadd.s32 s6, s29  }
0x3f: {  	[tilespmem:s25], [sflag:$0x2] =	stream.linear.gather [hbm4b:s30+s25], $0x50, $0x38;
	[tilespmem:$0x1ED80] =	vst v63  }
0x40: {  	_ =	swait.ge [sflag:s19], $0x50  }
0x41: {  	[sflag:s19] =	ssyncset.done $0x0  }
0x42: {  	s29 =	sadd.s32 s3, s29;
	[sflag:s19] =	ssyncadd.s32 $0xFFFFFFB0  }
0x43: {  	[tilespmem:s20], [sflag:$0x2] =	stream.linear.gather [hbm4b:s29+s25], $0x50, $0x38;
	[tilespmem:$0x1ED80] =	vst v63  }
0x44: {  	_ =	swait.ge [sflag:s19], $0x50  }
0x45: {  	s28 =	sshll.u32 s28, $0x4;
	[sflag:s19] =	ssyncset.done $0x0  }
0x46: {  	s28 =	sadd.s32 s7, s28;
	[sflag:s19] =	ssyncadd.s32 $0xFFFFFFB0  }
0x47: {  	[tilespmem:s21], [sflag:$0x2] =	stream.linear.gather [hbm4b:s28+s25], $0x2800, $0x38;
	[tilespmem:$0x1ED80] =	vst v63  }
0x48: {  	_ =	swait.ge [sflag:s19], $0x2800  }
0x49: {  	[sflag:s19] =	ssyncset.done $0x0  }
0x4a: {  	[sflag:s19] =	ssyncadd.s32 $0xFFFFD800  }
0x4b: {  	[tilespmem:s23], [sflag:$0x1] =	stream.indirect.gather [hbm4b:s1+s22], $0x80, s25, s22, $0xb8;
	[tilespmem:$0x1ED80] =	vst v63  }
0x4c: {  	_ =	swait.ge [sflag:s24], $0x2800  }
0x4d: {  	[sflag:s24] =	ssyncset.done $0x0  }
0x4e: {  	s28 =	simm.s32 $0x0;
	[sflag:s24] =	ssyncadd.s32 $0xFFFFD800  }
0x4f: {  	v7 =	vld [tilespmem:s28+$0x2900]  }
0x50: {  	v12 =	vld [tilespmem:s28+$0x2910]  }
0x51: {  	v6 =	vld [tilespmem:s28+$0x2920]  }
0x52: {  	v5 =	vld [tilespmem:s28+$0x2930]  }
0x53: {  	v4 =	vld [tilespmem:s28+$0x2940]  }
0x54: {  	v3 =	vld [tilespmem:s28+$0x2950]  }
0x55: {  	v2 =	vld [tilespmem:s28+$0x2960]  }
0x56: {  	v1 =	vld [tilespmem:s28+$0x2970]  }
0x57: {  	v13 =	vld [tilespmem:s28+$0x100]  }
0x58: {  	v14 =	vld [tilespmem:s28+$0x110]  }
0x59: {  	v11 =	vld [tilespmem:s28+$0x120]  }
0x5a: {  	v10 =	vld [tilespmem:s28+$0x130]  }
0x5b: {  	v9 =	vld [tilespmem:s28+$0x140]  }
0x5c: {  	v8 =	vld [tilespmem:s28+$0x150];
	v13 =	vadd.f32 v7, v13  }
0x5d: {  	s29 =	simm.s32 $0x200;
	v12 =	vadd.f32 v12, v14;
	v7 =	vld [tilespmem:s28+$0x160]  }
.LBB2_5:
0x5e: {  	s30 =	sshra.s32 s29, $0x2;
	p1 =	sne.s32 s29, $0x9E00;
	v13 =	vmax.f32 v13, $0.0e+00;
	v6 =	vadd.f32 v6, v11;
	v11 =	vld [tilespmem:s28+$0x170]  }
0x5f: {  	v14 =	vld [tilespmem:s30+$0x2900];
	[tilespmem:s28+$0x100] =	vst v13;
	v12 =	vmax.f32 v12, $0.0e+00;
	v5 =	vadd.f32 v5, v10  }
0x60: {  	v15 =	vld [tilespmem:s30+$0x2910];
	[tilespmem:s28+$0x110] =	vst v12;
	v10 =	vmax.f32 v6, $0.0e+00;
	v4 =	vadd.f32 v4, v9  }
0x61: {  	v6 =	vld [tilespmem:s30+$0x2920];
	[tilespmem:s28+$0x120] =	vst v10;
	v9 =	vmax.f32 v5, $0.0e+00;
	v3 =	vadd.f32 v3, v8  }
0x62: {  	v5 =	vld [tilespmem:s30+$0x2930];
	[tilespmem:s28+$0x130] =	vst v9;
	v8 =	vmax.f32 v4, $0.0e+00;
	v2 =	vadd.f32 v2, v7  }
0x63: {  	v4 =	vld [tilespmem:s30+$0x2940];
	[tilespmem:s28+$0x140] =	vst v8;
	v7 =	vmax.f32 v3, $0.0e+00;
	v1 =	vadd.f32 v1, v11  }
0x64: {  	v3 =	vld [tilespmem:s30+$0x2950];
	[tilespmem:s28+$0x150] =	vst v7;
	v7 =	vmax.f32 v2, $0.0e+00  }
0x65: {  	v2 =	vld [tilespmem:s30+$0x2960];
	[tilespmem:s28+$0x160] =	vst v7;
	v7 =	vmax.f32 v1, $0.0e+00  }
0x66: {  	v1 =	vld [tilespmem:s30+$0x2970];
	[tilespmem:s28+$0x170] =	vst v7;
	s28 =	smov.u32 s30  }
0x67: {  	v7 =	vld [tilespmem:s28+$0x100]  }
0x68: {  	v12 =	vld [tilespmem:s28+$0x110]  }
.Ltmp1:
0x69: {  	v11 =	vld [tilespmem:s28+$0x120];
	(pc) =	sbr.rel @p1 .LBB2_5-.Ltmp1, $4  }
0x6a: {  	v10 =	vld [tilespmem:s28+$0x130]  }
0x6b: {  	v9 =	vld [tilespmem:s28+$0x140]  }
0x6c: {  	v13 =	vadd.f32 v14, v7;
	v8 =	vld [tilespmem:s28+$0x150]  }
0x6d: {  	s29 =	sadd.s32 $0x200, s29;
	v12 =	vadd.f32 v15, v12;
	v7 =	vld [tilespmem:s28+$0x160]  }
0x6e: {  	v13 =	vmax.f32 v13, $0.0e+00;
	v6 =	vadd.f32 v6, v11;
	v63 =	vld [tilespmem:s28+$0x170]  }
0x6f: {  	[tilespmem:s28+$0x100] =	vst v13;
	v12 =	vmax.f32 v12, $0.0e+00;
	v5 =	vadd.f32 v5, v10  }
0x70: {  	[tilespmem:s28+$0x110] =	vst v12;
	v6 =	vmax.f32 v6, $0.0e+00;
	v4 =	vadd.f32 v4, v9  }
0x71: {  	[tilespmem:s28+$0x120] =	vst v6;
	v5 =	vmax.f32 v5, $0.0e+00;
	v3 =	vadd.f32 v3, v8  }
0x72: {  	[tilespmem:s28+$0x130] =	vst v5;
	v4 =	vmax.f32 v4, $0.0e+00;
	v2 =	vadd.f32 v2, v7  }
0x73: {  	[tilespmem:s28+$0x140] =	vst v4;
	v3 =	vmax.f32 v3, $0.0e+00;
	v1 =	vadd.f32 v1, v63  }
0x74: {  	s26 =	sadd.s32 $0x1, s26;
	[tilespmem:s28+$0x150] =	vst v3;
	v2 =	vmax.f32 v2, $0.0e+00  }
0x75: {  	p1 =	sne.s32 s26, $0x7D;
	[tilespmem:s28+$0x160] =	vst v2;
	v1 =	vmax.f32 v1, $0.0e+00  }
.Ltmp2:
0x76: {  	[tilespmem:s28+$0x170] =	vst v1;
	(pc) =	sbr.rel @p1 .LBB2_4-.Ltmp2, $4  }
0x77: {  	[spmem:s4] =	stream.indirect.scatter.add.f32 [tilespmem:s21], [sflag:$0x2], $0x80, s20, s22, $0xb8;
	[tilespmem:$0x1ED80] =	vst v63  }
0x78: {  	_ =	swait.ge [sflag:s19], $0x2800  }
0x79: {  	[sflag:s19] =	ssyncset.done $0x0  }
0x7a: {  	[sflag:s19] =	ssyncadd.s32 $0xFFFFD800  }
0x7b: {  	s25 =	sshll.u32 s2, $0x6  }
0x7c: {  	[bflag:$0x0] =	sbarrier.arrive $0xFFFF;
	s26 =	sshrl.u32 s8, $0x3;
	s25 =	sor.u32 $0x1C02, s25  }
0x7d: {  	[hbm:s13], [sflag:s25] =	dma.local [spmem:s26], $0xC80  }
0x7e: {  	_ =	swait.ge [sflag:s19], $0xC80  }
0x7f: {  	[sflag:s19] =	ssyncset.done $0x0  }
0x80: {  	s30 =	sshrl.u32 s9, $0x3;
	[sflag:s19] =	ssyncadd.s32 $0xFFFFF380  }
0x81: {  	[hbm:s14], [sflag:s25] =	dma.local [spmem:s30], $0xC80  }
0x82: {  	_ =	swait.ge [sflag:s19], $0xC80  }
0x83: {  	[sflag:s19] =	ssyncset.done $0x0  }
0x84: {  	s31 =	sshrl.u32 s10, $0x3;
	[sflag:s19] =	ssyncadd.s32 $0xFFFFF380  }
0x85: {  	[hbm:s15], [sflag:s25] =	dma.local [spmem:s31], $0xC80  }
0x86: {  	_ =	swait.ge [sflag:s19], $0xC80  }
0x87: {  	s5 =	sadd.s32 $0x1, s5;
	[sflag:s19] =	ssyncset.done $0x0  }
0x88: {  	p1 =	sne.s32 s5, s17;
	s26 =	sshrl.u32 @!p0 s11, $0x3;
	[sflag:s19] =	ssyncadd.s32 $0xFFFFF380  }
0x89: {  	[hbm:s16], [sflag:s25] =	dma.local @!p0 [spmem:s26], $0xC80  }
.Ltmp3:
0x8a: {  	_ = 	snop;
	(pc) =	sbr.rel @p1 .LBB2_1-.Ltmp3, $4  }
0x8b: {  	s25 =	simm.s32 @!p0 $0x2  }
0x8c: {  	_ =	swait.ge @!p0 [sflag:s25], $0xC80  }
0x8d: {  	[sflag:s25] =	ssyncset.done @!p0 $0x0  }
0x8e: {  	[sflag:s25] =	ssyncadd.s32 @!p0 $0xFFFFF380  }
0x8f: {  	_ =	sfence.sel $0x180000  }
0x90: {  	[bflag:$0x0] =	sbarrier.arrive $0xFFFF  }
0x91: {  	p0 =	sne.s32 s2, $0x0;
	_ =	strace $0x90000047  }
0x92: {  	s0 =	sadd.s32 @!p0 $0x100000, s0;
	[bflag:$0x2] =	sbarrier.arrive $0xFFFF  }
0x93: {  	[sflag:s0] =	ssyncadd.tile.s32 @!p0 $0x1;
	_ =	shalt  }
.Lfunc_end2:
_tile_overlayer_lowered:
.L_overlay_start_2:
0x94: {  	(tag) =	ssettag $0x2  }
0x95: {  	s0 =	rddreg [dreg:$0x0];
	s2 =	stileid.u32  }
0x96: {  	s1 =	rddreg [dreg:$0x1];
	p0 =	sne.s32 s2, $0x0  }
0x97: {  	s3 =	rddreg [dreg:$0x2];
	[bflag:$0x3] =	sbarrier.arrive $0xFFFF;
	s2 =	simm.s32 @!p0 $0x1C02  }
0x98: {  	[timem:s3], [sflag:s2] =	dma.local @!p0 [hbm:s0], s1  }
0x99: {  	s0 =	simm.s32 @!p0 $0x2  }
0x9a: {  	_ =	swait.ge @!p0 [sflag:s0], s1  }
0x9b: {  	s1 =	ssub.s32 @!p0 $0x0, s1;
	[sflag:s0] =	ssyncset.done @!p0 $0x0  }
0x9c: {  	[sflag:s0] =	ssyncadd.s32 @!p0 s1  }
0x9d: {  	[bflag:$0x3] =	sbarrier.arrive $0xFFFF  }
0x9e: {  	_ =	shalt  }

</sc_bundles>
